<compile_context>
chip_gen: v7x
topology: tpu7x:2x2x1
jax: 0.10.2.dev20260603
libtpu: 0.0.44.dev20260713+nightly
codegen_flags: <defaults>
</compile_context>

<pallas_src>
import jax
import jax.numpy as jnp
from jax import lax
from jax.experimental import pallas as pl
from jax.experimental.pallas import tpu as pltpu
from jax.experimental.pallas import tpu_sc as plsc

B = 16384
S = 8192
NC, NS = 2, 16
NW = NC * NS
CHUNK = S // NW
GPW = CHUNK // 16
TILE = 512

SRC = (0, 0, 1, 1, 2, 2)
DST = (1, 2, 0, 2, 0, 1)
PAIRS = ((0, 1), (0, 2), (1, 2))
IN_EDGES = ((2, 1, 4, 2), (0, 0, 5, 2), (1, 0, 3, 1))

_F32 = jnp.float32

_WL0, _WR0, _WE0, _ATT0, _BL0, _BR0, _BIAS0 = 0, 224, 448, 496, 512, 528, 544
_WROWS = 560


def _dot(a, b):
    return jax.lax.dot(a, b, preferred_element_type=_F32)




def _rsqrt16(x):
    xi = lax.bitcast_convert_type(x, jnp.int32)
    yi = jnp.int32(0x5F3759DF) - lax.shift_right_arithmetic(xi, jnp.int32(1))
    y = lax.bitcast_convert_type(yi, _F32)
    for _ in range(3):
        y = y * (1.5 - 0.5 * x * y * y)
    return y


def _sc_gat_body(flt_hbm, wtab_hbm, pool_hbm, fv, wv, xlsv, poolv):
    cid = lax.axis_index("c")
    sid = lax.axis_index("s")
    wid = sid * NC + cid
    base = wid * CHUNK
    pltpu.sync_copy(flt_hbm.at[:, pl.ds(base, CHUNK)], fv)
    pltpu.sync_copy(wtab_hbm, wv)

    def gbody(g, gcarry):
        geom = []
        for (s, d) in PAIRS:
            cx = fv[14 * d + 0, pl.ds(16 * g, 16)] - fv[14 * s + 0, pl.ds(16 * g, 16)]
            cy = fv[14 * d + 1, pl.ds(16 * g, 16)] - fv[14 * s + 1, pl.ds(16 * g, 16)]
            d2 = cx * cx + cy * cy
            dist = d2 * _rsqrt16(d2)
            geom.append((cx, cy, dist))

        def cbody(c, alphas):
            wl_c = [wv[_WL0 + k * 16 + c, :] for k in range(14)]
            wr_c = [wv[_WR0 + k * 16 + c, :] for k in range(14)]
            we_c = [wv[_WE0 + k * 16 + c, :] for k in range(3)]
            att_c = wv[_ATT0 + c, :]
            bl_c = wv[_BL0 + c, :]
            br_c = wv[_BR0 + c, :]

            xl_c, xr_c = [], []
            for j in range(3):
                al, ar = bl_c, br_c
                for k in range(14):
                    fk = fv[14 * j + k, pl.ds(16 * g, 16)]
                    al = al + fk * wl_c[k]
                    ar = ar + fk * wr_c[k]
                xl_c.append(al)
                xr_c.append(ar)

            ev = {}
            for p, (s, d) in enumerate(PAIRS):
                cx, cy, dist = geom[p]
                u = cx * we_c[0] + cy * we_c[1]
                t = dist * we_c[2]
                ev[(s, d)] = t + u
                ev[(d, s)] = t - u

            out = []
            for e in range(6):
                s, d = SRC[e], DST[e]
                m = xl_c[s] + xr_c[d] + ev[(s, d)]
                m = jnp.where(m > 0, m, 0.2 * m)
                out.append(alphas[e] + m * att_c)

            for j in range(3):
                xlsv[j, c, :] = xl_c[j]
            return tuple(out)

        alphas = lax.fori_loop(
            0, 16, cbody, tuple(jnp.zeros((16,), _F32) for _ in range(6)))

        w = []
        for dd in range(3):
            e1, s1, e2, s2 = IN_EDGES[dd]
            a1, a2 = alphas[e1], alphas[e2]
            amax = jnp.maximum(a1, a2)
            x1 = jnp.exp(a1 - amax)
            x2 = jnp.exp(a2 - amax)
            inv = 1.0 / (x1 + x2 + 1e-16)
            w.append((x1 * inv, x2 * inv))

        def c2body(c, z):
            bias_c = wv[_BIAS0 + c, :]
            xj = [xlsv[j, c, :] for j in range(3)]
            pool_c = jnp.zeros((16,), _F32)
            for dd in range(3):
                _, s1, _, s2 = IN_EDGES[dd]
                w1, w2 = w[dd]
                o = w1 * xj[s1] + w2 * xj[s2] + bias_c
                pool_c = pool_c + jnp.maximum(o, 0.0)
            poolv[c, pl.ds(16 * g, 16)] = pool_c
            return z

        lax.fori_loop(0, 16, c2body, 0)
        return gcarry

    lax.fori_loop(0, GPW, gbody, 0)
    pltpu.sync_copy(poolv, pool_hbm.at[:, pl.ds(base, CHUNK)])


def _sc_gat(flt, wtab):
    mesh = plsc.VectorSubcoreMesh(core_axis_name="c", subcore_axis_name="s")
    return pl.kernel(
        _sc_gat_body,
        mesh=mesh,
        compiler_params=pltpu.CompilerParams(use_tc_tiling_on_sc=False),
        out_type=jax.ShapeDtypeStruct((16, S), _F32),
        scratch_types=[
            pltpu.VMEM((42, CHUNK), _F32),
            pltpu.VMEM((_WROWS, 16), _F32),
            pltpu.VMEM((3, 16, 16), _F32),
            pltpu.VMEM((16, CHUNK), _F32),
        ],
    )(flt, wtab)




def _obj_AT(WlT):
    VT = WlT[:, 6:10] + WlT[:, 10:14]
    return jnp.concatenate([
        WlT[:, 0:1] - VT[:, 0:1] - VT[:, 2:3],
        WlT[:, 1:2] - VT[:, 1:2] - VT[:, 3:4],
        VT,
    ], axis=1)


def _mlp(h, W1T_ref, b1_ref, W2T_ref, b2_ref):
    hid = jnp.maximum(_dot(W1T_ref[:, :], h) + b1_ref[:, :], 0.0)
    return _dot(W2T_ref[:, :], hid) + b2_ref[:, :]


def _tc_gat_body(flt_ref, lmT_ref, WlrT_ref, WeT_ref, att_ref, blr_ref, bias_ref,
                 W1T_ref, b1_ref, W2T_ref, b2_ref, outT_ref):
    flt = flt_ref[:, :]
    WlrT = WlrT_ref[:, :]
    blr = blr_ref[:, :]
    bias = bias_ref[:, :]
    att = att_ref[:, :]
    WeT = WeT_ref[:, :]

    xl, xr, pos = [], [], []
    for j in range(3):
        fj = flt[14 * j:14 * j + 14, :]
        xlr = _dot(WlrT, fj) + blr
        xl.append(xlr[0:16, :])
        xr.append(xlr[16:32, :])
        pos.append(fj[0:2, :])

    alphas = []
    for e in range(6):
        s, d = SRC[e], DST[e]
        cx = pos[d][0:1, :] - pos[s][0:1, :]
        cy = pos[d][1:2, :] - pos[s][1:2, :]
        dist = jnp.sqrt(cx * cx + cy * cy)
        eT = WeT[:, 0:1] * cx + WeT[:, 1:2] * cy + WeT[:, 2:3] * dist
        m = xl[s] + xr[d] + eT
        m = jnp.where(m > 0, m, 0.2 * m)
        alphas.append(jnp.sum(m * att, axis=0, keepdims=True))

    pool = jnp.zeros((16, TILE), _F32)
    for d in range(3):
        e1, s1, e2, s2 = IN_EDGES[d]
        a1, a2 = alphas[e1], alphas[e2]
        amax = jnp.maximum(a1, a2)
        x1 = jnp.exp(a1 - amax)
        x2 = jnp.exp(a2 - amax)
        den = x1 + x2 + 1e-16
        o = (x1 / den) * xl[s1] + (x2 / den) * xl[s2] + bias
        pool = pool + jnp.maximum(o, 0.0)

    AT = _obj_AT(WlrT[0:16, :])
    xlobj = _dot(AT, lmT_ref[:, :]) + blr[0:16, :] + bias
    objpool = 3.0 * jnp.maximum(xlobj, 0.0)

    h = jnp.concatenate([pool, objpool], axis=0)
    outT_ref[:, :] = _mlp(h, W1T_ref, b1_ref, W2T_ref, b2_ref)


def _tc_gat(flt, lmT, WlrT, WeT, att2, blr, bias2, W1T, b1, W2T, b2):
    grid = ((B - S) // TILE,)
    full = lambda shape: pl.BlockSpec(shape, lambda i: (0, 0))
    return pl.pallas_call(
        _tc_gat_body,
        grid=grid,
        in_specs=[
            pl.BlockSpec((42, TILE), lambda i: (0, i)),
            pl.BlockSpec((6, TILE), lambda i: (0, i)),
            full((32, 14)),
            full((16, 3)),
            full((16, 1)),
            full((32, 1)),
            full((16, 1)),
            full((128, 32)),
            full((128, 1)),
            full((32, 128)),
            full((32, 1)),
        ],
        out_specs=pl.BlockSpec((32, TILE), lambda i: (0, i)),
        out_shape=jax.ShapeDtypeStruct((32, B - S), _F32),
    )(flt, lmT, WlrT, WeT, att2, blr, bias2, W1T, b1, W2T, b2)




def _sc_head_body(pool_ref, lmT_ref, WlT_ref, blb_ref, W1T_ref, b1_ref,
                  W2T_ref, b2_ref, outT_ref):
    AT = _obj_AT(WlT_ref[:, :])
    xlobj = _dot(AT, lmT_ref[:, :]) + blb_ref[:, :]
    objpool = 3.0 * jnp.maximum(xlobj, 0.0)
    h = jnp.concatenate([pool_ref[:, :], objpool], axis=0)
    outT_ref[:, :] = _mlp(h, W1T_ref, b1_ref, W2T_ref, b2_ref)


TILE_HD = 2048


def _sc_head(pool, lmT, WlT, blb, W1T, b1, W2T, b2):
    grid = (S // TILE_HD,)
    full = lambda shape: pl.BlockSpec(shape, lambda i: (0, 0))
    return pl.pallas_call(
        _sc_head_body,
        grid=grid,
        in_specs=[
            pl.BlockSpec((16, TILE_HD), lambda i: (0, i)),
            pl.BlockSpec((6, TILE_HD), lambda i: (0, i)),
            full((16, 14)),
            full((16, 1)),
            full((128, 32)),
            full((128, 1)),
            full((32, 128)),
            full((32, 1)),
        ],
        out_specs=pl.BlockSpec((32, TILE_HD), lambda i: (0, i)),
        out_shape=jax.ShapeDtypeStruct((32, S), _F32),
    )(pool, lmT, WlT, blb, W1T, b1, W2T, b2)




@jax.jit
def _run(featT_sc, lmT_sc, featT_tc, lmT_tc, wtab, WlrT, WeT, att2, blr,
         bias2, blb, W1T, b1, W2T, b2):
    pool_sc = _sc_gat(featT_sc, wtab)
    out_tc = _tc_gat(featT_tc, lmT_tc, WlrT, WeT, att2, blr, bias2,
                     W1T, b1, W2T, b2)
    out_sc = _sc_head(pool_sc, lmT_sc, WlrT[0:16, :], blb, W1T, b1, W2T, b2)
    return jnp.concatenate([out_sc, out_tc], axis=1).T


def kernel(agent_pos, landmark_pos, agent_vel, other_pos, relative_landmark_pos,
           W_l, b_l, W_r, b_r, W_e, att, bias, W1, b1, W2, b2):
    b = agent_pos.shape[0]
    feat_sc = jnp.concatenate(
        [agent_pos[:S], agent_vel[:S], relative_landmark_pos[:S],
         other_pos[:S]], axis=2)
    feat_tc = jnp.concatenate(
        [agent_pos[S:], agent_vel[S:], relative_landmark_pos[S:],
         other_pos[S:]], axis=2)
    featT_sc = feat_sc.reshape(S, 42).T
    featT_tc = feat_tc.reshape(b - S, 42).T
    lmT_sc = landmark_pos[:S].reshape(S, 6).T
    lmT_tc = landmark_pos[S:].reshape(b - S, 6).T
    flat = jnp.concatenate([
        W_l.reshape(-1), W_r.reshape(-1), W_e.reshape(-1),
        att, b_l, b_r, bias])
    wtab = jnp.broadcast_to(flat[:, None], (_WROWS, 16))
    WlrT = jnp.concatenate([W_l.T, W_r.T], axis=0)
    blr = jnp.concatenate([b_l, b_r])[:, None]
    return _run(featT_sc, lmT_sc, featT_tc, lmT_tc, wtab, WlrT, W_e.T,
                att[:, None], blr, bias[:, None], (b_l + bias)[:, None],
                W1.T, b1[:, None], W2.T, b2[:, None])

# --- scband reference (transcript-rebuilt; emitter-appended) ---
"""Pipeline reference for scband-sclmodel-83665962926884 (READ-ONLY COPY).

The authoritative reference and input builder live on the scoring server;
editing this copy changes nothing except your own understanding.
"""

import jax, jax.numpy as jnp
import numpy as np

B = 16384
N_AGENTS = 3

def _edge_index(b):
    base = jnp.array([[0, 0, 1, 1, 2, 2], [1, 2, 0, 2, 0, 1]], dtype=jnp.int32)
    ei = jnp.tile(base, (1, b))
    off = jnp.repeat(jnp.arange(b, dtype=jnp.int32) * N_AGENTS, 6)
    return ei + off[None, :]

def _edge_attr(pos, ei):
    src, dst = ei[0], ei[1]
    cart = pos[dst] - pos[src]
    dist = jnp.linalg.norm(cart, axis=1, keepdims=True)
    return jnp.concatenate([cart, dist], axis=1)

def _gatv2(x, ei, ea, W_l, b_l, W_r, b_r, W_e, att, bias):
    src, dst = ei[0], ei[1]
    N = x.shape[0]
    xl = x @ W_l + b_l
    xr = x @ W_r + b_r
    e = ea @ W_e
    m = xl[src] + xr[dst] + e
    m = jnp.where(m > 0, m, 0.2 * m)
    alpha = m @ att
    amax = jax.ops.segment_max(alpha, dst, num_segments=N)
    ex = jnp.exp(alpha - amax[dst])
    den = jax.ops.segment_sum(ex, dst, num_segments=N)
    a = ex / (den[dst] + 1e-16)
    out = jax.ops.segment_sum(xl[src] * a[:, None], dst, num_segments=N)
    return out + bias

def _forward(agent_pos, landmark_pos, agent_vel, other_pos, relative_landmark_pos, W_l, b_l, W_r, b_r, W_e, att, bias, W1, b1, W2, b2):
    b = agent_pos.shape[0]
    objective_pos = landmark_pos[:, 0, :]
    objective_vel = jnp.zeros((b, 2), jnp.float32)
    lm_flat = landmark_pos.reshape(b, 6)
    rel_env = lm_flat - jnp.tile(objective_pos, (1, 3))
    rel_other = rel_env[:, 2:]
    obj_feat = jnp.concatenate([objective_pos, objective_vel, rel_env, rel_other], axis=1)
    obj_feat3 = jnp.repeat(obj_feat, N_AGENTS, axis=0)
    pos1 = jnp.repeat(objective_pos, N_AGENTS, axis=0)
    ei = _edge_index(b)
    ea1 = _edge_attr(pos1, ei)
    h1 = jax.nn.relu(_gatv2(obj_feat3, ei, ea1, W_l, b_l, W_r, b_r, W_e, att, bias))
    agents_features = jnp.concatenate([agent_pos, agent_vel, relative_landmark_pos, other_pos], axis=2).reshape(-1, 14)
    pos2 = agent_pos.reshape(-1, 2)
    ea2 = _edge_attr(pos2, ei)
    h2 = jax.nn.relu(_gatv2(agents_features, ei, ea2, W_l, b_l, W_r, b_r, W_e, att, bias))
    batch_ids = jnp.repeat(jnp.arange(b, dtype=jnp.int32), N_AGENTS)
    obj_pool = jax.ops.segment_sum(h1, batch_ids, num_segments=b)
    agent_pool = jax.ops.segment_sum(h2, batch_ids, num_segments=b)
    h = jnp.concatenate([agent_pool, obj_pool], axis=1)
    hid = jax.nn.relu(h @ W1 + b1)
    return hid @ W2 + b2

def setup_inputs(seed: int = 0):
    key = jax.random.key(seed)
    ks = jax.random.split(key, 16)
    inp = {
        "agent_pos": jax.random.normal(ks[0], (B, 3, 2), jnp.float32),
        "landmark_pos": jax.random.normal(ks[1], (B, 3, 2), jnp.float32),
        "agent_vel": jax.random.normal(ks[2], (B, 3, 2), jnp.float32),
        "other_pos": jax.random.normal(ks[3], (B, 3, 4), jnp.float32),
        "relative_landmark_pos": jax.random.normal(ks[4], (B, 3, 6), jnp.float32),
        "W_l": jax.random.normal(ks[5], (14, 16), jnp.float32) * 0.25,
        "b_l": jnp.zeros((16,), jnp.float32),
        "W_r": jax.random.normal(ks[6], (14, 16), jnp.float32) * 0.25,
        "b_r": jnp.zeros((16,), jnp.float32),
        "W_e": jax.random.normal(ks[7], (3, 16), jnp.float32) * 0.5,
        "att": jax.random.normal(ks[8], (16,), jnp.float32) * 0.25,
        "bias": jnp.zeros((16,), jnp.float32),
        "W1": jax.random.normal(ks[9], (32, 128), jnp.float32) * 0.17,
        "b1": jnp.zeros((128,), jnp.float32),
        "W2": jax.random.normal(ks[10], (128, 32), jnp.float32) * 0.09,
        "b2": jnp.zeros((32,), jnp.float32),
    }
    return inp

def reference(agent_pos, landmark_pos, agent_vel, other_pos, relative_landmark_pos, W_l, b_l, W_r, b_r, W_e, att, bias, W1, b1, W2, b2):
    return _forward(agent_pos, landmark_pos, agent_vel, other_pos, relative_landmark_pos, W_l, b_l, W_r, b_r, W_e, att, bias, W1, b1, W2, b2)

if __name__ == "__main__":
    import jax
    _d = setup_inputs()
    print(jax.jit(kernel)(*tuple(_d.values())))

</pallas_src>

<mosaic_0001>
#map = affine_map<(d0, d1) -> (0, 0)>
module attributes {stable_mosaic.version = 14 : i64} {
  func.func @_sc_gat_body(%arg0: i32, %arg1: i32, %arg2: memref<42x8192xf32, #tpu.memory_space<hbm>>, %arg3: memref<560x16xf32, #tpu.memory_space<hbm>>, %arg4: memref<16x8192xf32, #tpu.memory_space<hbm>>, %arg5: memref<42x256xf32, #tpu.memory_space<vmem>>, %arg6: memref<560x16xf32, #tpu.memory_space<vmem>>, %arg7: memref<3x16x16xf32, #tpu.memory_space<vmem>>, %arg8: memref<16x256xf32, #tpu.memory_space<vmem>>) attributes {dimension_semantics = [#tpu.dimension_semantics<core_parallel>, #tpu.dimension_semantics<subcore_parallel>], iteration_bounds = array<i64: 2, 16>, scalar_prefetch = 0 : i64, scratch_operands = 4 : i64, tpu.core_type = #tpu.core_type<sc_vector_subcore>, window_params = [{transform_indices = #map}, {transform_indices = #map}, {transform_indices = #map}]} {
    %mul3A = arith.constant 2 : i32
    %mul3A_0 = arith.muli %arg1, %mul3A : i32
    %add3A = arith.addi %mul3A_0, %arg0 : i32
    %mul3A_1 = arith.constant 256 : i32
    %mul3A_2 = arith.muli %add3A, %mul3A_1 : i32
    "tpu.region"() ({
      %run_scoped3A = tpu.sem_alloc : memref<!tpu.dma_semaphore, #tpu.memory_space<semaphore_mem>>
      %dma_start3A = arith.constant 0 : i32
      %dma_start3A_8 = tpu.memref_slice %arg2[%dma_start3A, %mul3A_2] : memref<42x8192xf32, #tpu.memory_space<hbm>> -> memref<42x256xf32, #tpu.memory_space<hbm>>
      %dma_start3A_9 = arith.constant 0 : i32
      %dma_start3A_10 = tpu.memref_slice %arg2[%dma_start3A_9, %mul3A_2] : memref<42x8192xf32, #tpu.memory_space<hbm>> -> memref<42x256xf32, #tpu.memory_space<hbm>>
      tpu.enqueue_dma source(%dma_start3A_10 : memref<42x256xf32, #tpu.memory_space<hbm>>) target(%arg5 : memref<42x256xf32, #tpu.memory_space<vmem>>) target_semaphore(%run_scoped3A : memref<!tpu.dma_semaphore, #tpu.memory_space<semaphore_mem>>)
      %dma_wait3A = arith.constant 0 : i32
      %dma_wait3A_11 = tpu.memref_slice %arg2[%dma_wait3A, %mul3A_2] : memref<42x8192xf32, #tpu.memory_space<hbm>> -> memref<42x256xf32, #tpu.memory_space<hbm>>
      %dma_wait3A_12 = arith.constant 0 : i32
      %dma_wait3A_13 = tpu.memref_slice %arg2[%dma_wait3A_12, %mul3A_2] : memref<42x8192xf32, #tpu.memory_space<hbm>> -> memref<42x256xf32, #tpu.memory_space<hbm>>
      tpu.wait_dma2 semaphore(%run_scoped3A : memref<!tpu.dma_semaphore, #tpu.memory_space<semaphore_mem>>) src(%dma_wait3A_13 : memref<42x256xf32, #tpu.memory_space<hbm>>) dst(%arg5 : memref<42x256xf32, #tpu.memory_space<vmem>>)
      tpu.yield
    }) : () -> ()
    "tpu.region"() ({
      %run_scoped3A = tpu.sem_alloc : memref<!tpu.dma_semaphore, #tpu.memory_space<semaphore_mem>>
      tpu.enqueue_dma source(%arg3 : memref<560x16xf32, #tpu.memory_space<hbm>>) target(%arg6 : memref<560x16xf32, #tpu.memory_space<vmem>>) target_semaphore(%run_scoped3A : memref<!tpu.dma_semaphore, #tpu.memory_space<semaphore_mem>>)
      tpu.wait_dma2 semaphore(%run_scoped3A : memref<!tpu.dma_semaphore, #tpu.memory_space<semaphore_mem>>) src(%arg3 : memref<560x16xf32, #tpu.memory_space<hbm>>) dst(%arg6 : memref<560x16xf32, #tpu.memory_space<vmem>>)
      tpu.yield
    }) : () -> ()
    %scan3A = arith.constant 0 : i32
    %scan3A_3 = arith.constant 0 : i32
    %scan3A_4 = arith.constant 16 : i32
    %scan3A_5 = arith.addi %scan3A_3, %scan3A_4 : i32
    %scan3A_6 = arith.constant 1 : i32
    scf.for %scan3A_8 = %scan3A_3 to %scan3A_5 step %scan3A_6  : i32 {
      %mul3A_9 = arith.constant 16 : i32
      %mul3A_10 = arith.muli %mul3A_9, %scan3A_8 : i32
      %get3A = arith.constant 14 : i32
      %get3A_11 = arith.index_cast %get3A : i32 to index
      %get3A_12 = arith.index_cast %mul3A_10 : i32 to index
      %get3A_13 = tpu.vector_load %arg5[%get3A_11, %get3A_12] {strides = array<i32>} : memref<42x256xf32, #tpu.memory_space<vmem>>, vector<1x16xf32>,
      %get3A_14 = vector.shape_cast %get3A_13 : vector<1x16xf32> to vector<16xf32>
      %mul3A_15 = arith.constant 16 : i32
      %mul3A_16 = arith.muli %mul3A_15, %scan3A_8 : i32
      %get3A_17 = arith.constant 0 : i32
      %get3A_18 = arith.index_cast %get3A_17 : i32 to index
      %get3A_19 = arith.index_cast %mul3A_16 : i32 to index
      %get3A_20 = tpu.vector_load %arg5[%get3A_18, %get3A_19] {strides = array<i32>} : memref<42x256xf32, #tpu.memory_space<vmem>>, vector<1x16xf32>,
      %get3A_21 = vector.shape_cast %get3A_20 : vector<1x16xf32> to vector<16xf32>
      %sub3A = arith.subf %get3A_14, %get3A_21 : vector<16xf32>
      %mul3A_22 = arith.constant 16 : i32
      %mul3A_23 = arith.muli %mul3A_22, %scan3A_8 : i32
      %get3A_24 = arith.constant 15 : i32
      %get3A_25 = arith.index_cast %get3A_24 : i32 to index
      %get3A_26 = arith.index_cast %mul3A_23 : i32 to index
      %get3A_27 = tpu.vector_load %arg5[%get3A_25, %get3A_26] {strides = array<i32>} : memref<42x256xf32, #tpu.memory_space<vmem>>, vector<1x16xf32>,
      %get3A_28 = vector.shape_cast %get3A_27 : vector<1x16xf32> to vector<16xf32>
      %mul3A_29 = arith.constant 16 : i32
      %mul3A_30 = arith.muli %mul3A_29, %scan3A_8 : i32
      %get3A_31 = arith.constant 1 : i32
      %get3A_32 = arith.index_cast %get3A_31 : i32 to index
      %get3A_33 = arith.index_cast %mul3A_30 : i32 to index
      %get3A_34 = tpu.vector_load %arg5[%get3A_32, %get3A_33] {strides = array<i32>} : memref<42x256xf32, #tpu.memory_space<vmem>>, vector<1x16xf32>,
      %get3A_35 = vector.shape_cast %get3A_34 : vector<1x16xf32> to vector<16xf32>
      %sub3A_36 = arith.subf %get3A_28, %get3A_35 : vector<16xf32>
      %mul3A_37 = arith.mulf %sub3A, %sub3A : vector<16xf32>
      %mul3A_38 = arith.mulf %sub3A_36, %sub3A_36 : vector<16xf32>
      %add3A_39 = arith.addf %mul3A_37, %mul3A_38 : vector<16xf32>
      %bitcast_convert_type3A = tpu.bitcast %add3A_39 : vector<16xf32> -> vector<16xi32>
      %shift_right_arithmetic3A = arith.constant 1 : i32
      %shift_right_arithmetic3A_40 = vector.broadcast %shift_right_arithmetic3A : i32 to vector<16xi32>
      %shift_right_arithmetic3A_41 = arith.shrsi %bitcast_convert_type3A, %shift_right_arithmetic3A_40 : vector<16xi32>
      %sub3A_42 = arith.constant 1597463007 : i32
      %sub3A_43 = vector.broadcast %sub3A_42 : i32 to vector<16xi32>
      %sub3A_44 = arith.subi %sub3A_43, %shift_right_arithmetic3A_41 : vector<16xi32>
      %bitcast_convert_type3A_45 = tpu.bitcast %sub3A_44 : vector<16xi32> -> vector<16xf32>
      %mul3A_46 = arith.constant 5.000000e-01 : f32
      %mul3A_47 = vector.broadcast %mul3A_46 : f32 to vector<16xf32>
      %mul3A_48 = arith.mulf %mul3A_47, %add3A_39 : vector<16xf32>
      %mul3A_49 = arith.mulf %mul3A_48, %bitcast_convert_type3A_45 : vector<16xf32>
      %mul3A_50 = arith.mulf %mul3A_49, %bitcast_convert_type3A_45 : vector<16xf32>
      %sub3A_51 = arith.constant 1.500000e+00 : f32
      %sub3A_52 = vector.broadcast %sub3A_51 : f32 to vector<16xf32>
      %sub3A_53 = arith.subf %sub3A_52, %mul3A_50 : vector<16xf32>
      %mul3A_54 = arith.mulf %bitcast_convert_type3A_45, %sub3A_53 : vector<16xf32>
      %mul3A_55 = arith.constant 5.000000e-01 : f32
      %mul3A_56 = vector.broadcast %mul3A_55 : f32 to vector<16xf32>
      %mul3A_57 = arith.mulf %mul3A_56, %add3A_39 : vector<16xf32>
      %mul3A_58 = arith.mulf %mul3A_57, %mul3A_54 : vector<16xf32>
      %mul3A_59 = arith.mulf %mul3A_58, %mul3A_54 : vector<16xf32>
      %sub3A_60 = arith.constant 1.500000e+00 : f32
      %sub3A_61 = vector.broadcast %sub3A_60 : f32 to vector<16xf32>
      %sub3A_62 = arith.subf %sub3A_61, %mul3A_59 : vector<16xf32>
      %mul3A_63 = arith.mulf %mul3A_54, %sub3A_62 : vector<16xf32>
      %mul3A_64 = arith.constant 5.000000e-01 : f32
      %mul3A_65 = vector.broadcast %mul3A_64 : f32 to vector<16xf32>
      %mul3A_66 = arith.mulf %mul3A_65, %add3A_39 : vector<16xf32>
      %mul3A_67 = arith.mulf %mul3A_66, %mul3A_63 : vector<16xf32>
      %mul3A_68 = arith.mulf %mul3A_67, %mul3A_63 : vector<16xf32>
      %sub3A_69 = arith.constant 1.500000e+00 : f32
      %sub3A_70 = vector.broadcast %sub3A_69 : f32 to vector<16xf32>
      %sub3A_71 = arith.subf %sub3A_70, %mul3A_68 : vector<16xf32>
      %mul3A_72 = arith.mulf %mul3A_63, %sub3A_71 : vector<16xf32>
      %mul3A_73 = arith.mulf %add3A_39, %mul3A_72 : vector<16xf32>
      %mul3A_74 = arith.constant 16 : i32
      %mul3A_75 = arith.muli %mul3A_74, %scan3A_8 : i32
      %get3A_76 = arith.constant 28 : i32
      %get3A_77 = arith.index_cast %get3A_76 : i32 to index
      %get3A_78 = arith.index_cast %mul3A_75 : i32 to index
      %get3A_79 = tpu.vector_load %arg5[%get3A_77, %get3A_78] {strides = array<i32>} : memref<42x256xf32, #tpu.memory_space<vmem>>, vector<1x16xf32>,
      %get3A_80 = vector.shape_cast %get3A_79 : vector<1x16xf32> to vector<16xf32>
      %mul3A_81 = arith.constant 16 : i32
      %mul3A_82 = arith.muli %mul3A_81, %scan3A_8 : i32
      %get3A_83 = arith.constant 0 : i32
      %get3A_84 = arith.index_cast %get3A_83 : i32 to index
      %get3A_85 = arith.index_cast %mul3A_82 : i32 to index
      %get3A_86 = tpu.vector_load %arg5[%get3A_84, %get3A_85] {strides = array<i32>} : memref<42x256xf32, #tpu.memory_space<vmem>>, vector<1x16xf32>,
      %get3A_87 = vector.shape_cast %get3A_86 : vector<1x16xf32> to vector<16xf32>
      %sub3A_88 = arith.subf %get3A_80, %get3A_87 : vector<16xf32>
      %mul3A_89 = arith.constant 16 : i32
      %mul3A_90 = arith.muli %mul3A_89, %scan3A_8 : i32
      %get3A_91 = arith.constant 29 : i32
      %get3A_92 = arith.index_cast %get3A_91 : i32 to index
      %get3A_93 = arith.index_cast %mul3A_90 : i32 to index
      %get3A_94 = tpu.vector_load %arg5[%get3A_92, %get3A_93] {strides = array<i32>} : memref<42x256xf32, #tpu.memory_space<vmem>>, vector<1x16xf32>,
      %get3A_95 = vector.shape_cast %get3A_94 : vector<1x16xf32> to vector<16xf32>
      %mul3A_96 = arith.constant 16 : i32
      %mul3A_97 = arith.muli %mul3A_96, %scan3A_8 : i32
      %get3A_98 = arith.constant 1 : i32
      %get3A_99 = arith.index_cast %get3A_98 : i32 to index
      %get3A_100 = arith.index_cast %mul3A_97 : i32 to index
      %get3A_101 = tpu.vector_load %arg5[%get3A_99, %get3A_100] {strides = array<i32>} : memref<42x256xf32, #tpu.memory_space<vmem>>, vector<1x16xf32>,
      %get3A_102 = vector.shape_cast %get3A_101 : vector<1x16xf32> to vector<16xf32>
      %sub3A_103 = arith.subf %get3A_95, %get3A_102 : vector<16xf32>
      %mul3A_104 = arith.mulf %sub3A_88, %sub3A_88 : vector<16xf32>
      %mul3A_105 = arith.mulf %sub3A_103, %sub3A_103 : vector<16xf32>
      %add3A_106 = arith.addf %mul3A_104, %mul3A_105 : vector<16xf32>
      %bitcast_convert_type3A_107 = tpu.bitcast %add3A_106 : vector<16xf32> -> vector<16xi32>
      %shift_right_arithmetic3A_108 = arith.constant 1 : i32
      %shift_right_arithmetic3A_109 = vector.broadcast %shift_right_arithmetic3A_108 : i32 to vector<16xi32>
      %shift_right_arithmetic3A_110 = arith.shrsi %bitcast_convert_type3A_107, %shift_right_arithmetic3A_109 : vector<16xi32>
      %sub3A_111 = arith.constant 1597463007 : i32
      %sub3A_112 = vector.broadcast %sub3A_111 : i32 to vector<16xi32>
      %sub3A_113 = arith.subi %sub3A_112, %shift_right_arithmetic3A_110 : vector<16xi32>
      %bitcast_convert_type3A_114 = tpu.bitcast %sub3A_113 : vector<16xi32> -> vector<16xf32>
      %mul3A_115 = arith.constant 5.000000e-01 : f32
      %mul3A_116 = vector.broadcast %mul3A_115 : f32 to vector<16xf32>
      %mul3A_117 = arith.mulf %mul3A_116, %add3A_106 : vector<16xf32>
      %mul3A_118 = arith.mulf %mul3A_117, %bitcast_convert_type3A_114 : vector<16xf32>
      %mul3A_119 = arith.mulf %mul3A_118, %bitcast_convert_type3A_114 : vector<16xf32>
      %sub3A_120 = arith.constant 1.500000e+00 : f32
      %sub3A_121 = vector.broadcast %sub3A_120 : f32 to vector<16xf32>
      %sub3A_122 = arith.subf %sub3A_121, %mul3A_119 : vector<16xf32>
      %mul3A_123 = arith.mulf %bitcast_convert_type3A_114, %sub3A_122 : vector<16xf32>
      %mul3A_124 = arith.constant 5.000000e-01 : f32
      %mul3A_125 = vector.broadcast %mul3A_124 : f32 to vector<16xf32>
      %mul3A_126 = arith.mulf %mul3A_125, %add3A_106 : vector<16xf32>
      %mul3A_127 = arith.mulf %mul3A_126, %mul3A_123 : vector<16xf32>
      %mul3A_128 = arith.mulf %mul3A_127, %mul3A_123 : vector<16xf32>
      %sub3A_129 = arith.constant 1.500000e+00 : f32
      %sub3A_130 = vector.broadcast %sub3A_129 : f32 to vector<16xf32>
      %sub3A_131 = arith.subf %sub3A_130, %mul3A_128 : vector<16xf32>
      %mul3A_132 = arith.mulf %mul3A_123, %sub3A_131 : vector<16xf32>
      %mul3A_133 = arith.constant 5.000000e-01 : f32
      %mul3A_134 = vector.broadcast %mul3A_133 : f32 to vector<16xf32>
      %mul3A_135 = arith.mulf %mul3A_134, %add3A_106 : vector<16xf32>
      %mul3A_136 = arith.mulf %mul3A_135, %mul3A_132 : vector<16xf32>
      %mul3A_137 = arith.mulf %mul3A_136, %mul3A_132 : vector<16xf32>
      %sub3A_138 = arith.constant 1.500000e+00 : f32
      %sub3A_139 = vector.broadcast %sub3A_138 : f32 to vector<16xf32>
      %sub3A_140 = arith.subf %sub3A_139, %mul3A_137 : vector<16xf32>
      %mul3A_141 = arith.mulf %mul3A_132, %sub3A_140 : vector<16xf32>
      %mul3A_142 = arith.mulf %add3A_106, %mul3A_141 : vector<16xf32>
      %mul3A_143 = arith.constant 16 : i32
      %mul3A_144 = arith.muli %mul3A_143, %scan3A_8 : i32
      %get3A_145 = arith.constant 28 : i32
      %get3A_146 = arith.index_cast %get3A_145 : i32 to index
      %get3A_147 = arith.index_cast %mul3A_144 : i32 to index
      %get3A_148 = tpu.vector_load %arg5[%get3A_146, %get3A_147] {strides = array<i32>} : memref<42x256xf32, #tpu.memory_space<vmem>>, vector<1x16xf32>,
      %get3A_149 = vector.shape_cast %get3A_148 : vector<1x16xf32> to vector<16xf32>
      %mul3A_150 = arith.constant 16 : i32
      %mul3A_151 = arith.muli %mul3A_150, %scan3A_8 : i32
      %get3A_152 = arith.constant 14 : i32
      %get3A_153 = arith.index_cast %get3A_152 : i32 to index
      %get3A_154 = arith.index_cast %mul3A_151 : i32 to index
      %get3A_155 = tpu.vector_load %arg5[%get3A_153, %get3A_154] {strides = array<i32>} : memref<42x256xf32, #tpu.memory_space<vmem>>, vector<1x16xf32>,
      %get3A_156 = vector.shape_cast %get3A_155 : vector<1x16xf32> to vector<16xf32>
      %sub3A_157 = arith.subf %get3A_149, %get3A_156 : vector<16xf32>
      %mul3A_158 = arith.constant 16 : i32
      %mul3A_159 = arith.muli %mul3A_158, %scan3A_8 : i32
      %get3A_160 = arith.constant 29 : i32
      %get3A_161 = arith.index_cast %get3A_160 : i32 to index
      %get3A_162 = arith.index_cast %mul3A_159 : i32 to index
      %get3A_163 = tpu.vector_load %arg5[%get3A_161, %get3A_162] {strides = array<i32>} : memref<42x256xf32, #tpu.memory_space<vmem>>, vector<1x16xf32>,
      %get3A_164 = vector.shape_cast %get3A_163 : vector<1x16xf32> to vector<16xf32>
      %mul3A_165 = arith.constant 16 : i32
      %mul3A_166 = arith.muli %mul3A_165, %scan3A_8 : i32
      %get3A_167 = arith.constant 15 : i32
      %get3A_168 = arith.index_cast %get3A_167 : i32 to index
      %get3A_169 = arith.index_cast %mul3A_166 : i32 to index
      %get3A_170 = tpu.vector_load %arg5[%get3A_168, %get3A_169] {strides = array<i32>} : memref<42x256xf32, #tpu.memory_space<vmem>>, vector<1x16xf32>,
      %get3A_171 = vector.shape_cast %get3A_170 : vector<1x16xf32> to vector<16xf32>
      %sub3A_172 = arith.subf %get3A_164, %get3A_171 : vector<16xf32>
      %mul3A_173 = arith.mulf %sub3A_157, %sub3A_157 : vector<16xf32>
      %mul3A_174 = arith.mulf %sub3A_172, %sub3A_172 : vector<16xf32>
      %add3A_175 = arith.addf %mul3A_173, %mul3A_174 : vector<16xf32>
      %bitcast_convert_type3A_176 = tpu.bitcast %add3A_175 : vector<16xf32> -> vector<16xi32>
      %shift_right_arithmetic3A_177 = arith.constant 1 : i32
      %shift_right_arithmetic3A_178 = vector.broadcast %shift_right_arithmetic3A_177 : i32 to vector<16xi32>
      %shift_right_arithmetic3A_179 = arith.shrsi %bitcast_convert_type3A_176, %shift_right_arithmetic3A_178 : vector<16xi32>
      %sub3A_180 = arith.constant 1597463007 : i32
      %sub3A_181 = vector.broadcast %sub3A_180 : i32 to vector<16xi32>
      %sub3A_182 = arith.subi %sub3A_181, %shift_right_arithmetic3A_179 : vector<16xi32>
      %bitcast_convert_type3A_183 = tpu.bitcast %sub3A_182 : vector<16xi32> -> vector<16xf32>
      %mul3A_184 = arith.constant 5.000000e-01 : f32
      %mul3A_185 = vector.broadcast %mul3A_184 : f32 to vector<16xf32>
      %mul3A_186 = arith.mulf %mul3A_185, %add3A_175 : vector<16xf32>
      %mul3A_187 = arith.mulf %mul3A_186, %bitcast_convert_type3A_183 : vector<16xf32>
      %mul3A_188 = arith.mulf %mul3A_187, %bitcast_convert_type3A_183 : vector<16xf32>
      %sub3A_189 = arith.constant 1.500000e+00 : f32
      %sub3A_190 = vector.broadcast %sub3A_189 : f32 to vector<16xf32>
      %sub3A_191 = arith.subf %sub3A_190, %mul3A_188 : vector<16xf32>
      %mul3A_192 = arith.mulf %bitcast_convert_type3A_183, %sub3A_191 : vector<16xf32>
      %mul3A_193 = arith.constant 5.000000e-01 : f32
      %mul3A_194 = vector.broadcast %mul3A_193 : f32 to vector<16xf32>
      %mul3A_195 = arith.mulf %mul3A_194, %add3A_175 : vector<16xf32>
      %mul3A_196 = arith.mulf %mul3A_195, %mul3A_192 : vector<16xf32>
      %mul3A_197 = arith.mulf %mul3A_196, %mul3A_192 : vector<16xf32>
      %sub3A_198 = arith.constant 1.500000e+00 : f32
      %sub3A_199 = vector.broadcast %sub3A_198 : f32 to vector<16xf32>
      %sub3A_200 = arith.subf %sub3A_199, %mul3A_197 : vector<16xf32>
      %mul3A_201 = arith.mulf %mul3A_192, %sub3A_200 : vector<16xf32>
      %mul3A_202 = arith.constant 5.000000e-01 : f32
      %mul3A_203 = vector.broadcast %mul3A_202 : f32 to vector<16xf32>
      %mul3A_204 = arith.mulf %mul3A_203, %add3A_175 : vector<16xf32>
      %mul3A_205 = arith.mulf %mul3A_204, %mul3A_201 : vector<16xf32>
      %mul3A_206 = arith.mulf %mul3A_205, %mul3A_201 : vector<16xf32>
      %sub3A_207 = arith.constant 1.500000e+00 : f32
      %sub3A_208 = vector.broadcast %sub3A_207 : f32 to vector<16xf32>
      %sub3A_209 = arith.subf %sub3A_208, %mul3A_206 : vector<16xf32>
      %mul3A_210 = arith.mulf %mul3A_201, %sub3A_209 : vector<16xf32>
      %mul3A_211 = arith.mulf %add3A_175, %mul3A_210 : vector<16xf32>
      %broadcast_in_dim3A = arith.constant 0.000000e+00 : f32
      %broadcast_in_dim3A_212 = vector.broadcast %broadcast_in_dim3A : f32 to vector<16xf32>
      %broadcast_in_dim3A_213 = arith.constant 0.000000e+00 : f32
      %broadcast_in_dim3A_214 = vector.broadcast %broadcast_in_dim3A_213 : f32 to vector<16xf32>
      %broadcast_in_dim3A_215 = arith.constant 0.000000e+00 : f32
      %broadcast_in_dim3A_216 = vector.broadcast %broadcast_in_dim3A_215 : f32 to vector<16xf32>
      %broadcast_in_dim3A_217 = arith.constant 0.000000e+00 : f32
      %broadcast_in_dim3A_218 = vector.broadcast %broadcast_in_dim3A_217 : f32 to vector<16xf32>
      %broadcast_in_dim3A_219 = arith.constant 0.000000e+00 : f32
      %broadcast_in_dim3A_220 = vector.broadcast %broadcast_in_dim3A_219 : f32 to vector<16xf32>
      %broadcast_in_dim3A_221 = arith.constant 0.000000e+00 : f32
      %broadcast_in_dim3A_222 = vector.broadcast %broadcast_in_dim3A_221 : f32 to vector<16xf32>
      %scan3A_223 = arith.constant 0 : i32
      %scan3A_224 = arith.constant 16 : i32
      %scan3A_225 = arith.addi %scan3A_223, %scan3A_224 : i32
      %scan3A_226 = arith.constant 1 : i32
      %scan3A_227:6 = scf.for %scan3A_274 = %scan3A_223 to %scan3A_225 step %scan3A_226 iter_args(%scan3A_275 = %broadcast_in_dim3A_212, %scan3A_276 = %broadcast_in_dim3A_214, %scan3A_277 = %broadcast_in_dim3A_216, %scan3A_278 = %broadcast_in_dim3A_218, %scan3A_279 = %broadcast_in_dim3A_220, %scan3A_280 = %broadcast_in_dim3A_222) -> (vector<16xf32>, vector<16xf32>, vector<16xf32>, vector<16xf32>, vector<16xf32>, vector<16xf32>)  : i32 {
        %add3A_281 = arith.constant 0 : i32
        %add3A_282 = arith.addi %add3A_281, %scan3A_274 : i32
        %get3A_283 = arith.index_cast %add3A_282 : i32 to index
        %get3A_284 = arith.constant 0 : index
        %get3A_285 = tpu.vector_load %arg6[%get3A_283, %get3A_284] {strides = array<i32>} : memref<560x16xf32, #tpu.memory_space<vmem>>, vector<1x16xf32>,
        %get3A_286 = vector.shape_cast %get3A_285 : vector<1x16xf32> to vector<16xf32>
        %add3A_287 = arith.constant 16 : i32
        %add3A_288 = arith.addi %add3A_287, %scan3A_274 : i32
        %get3A_289 = arith.index_cast %add3A_288 : i32 to index
        %get3A_290 = arith.constant 0 : index
        %get3A_291 = tpu.vector_load %arg6[%get3A_289, %get3A_290] {strides = array<i32>} : memref<560x16xf32, #tpu.memory_space<vmem>>, vector<1x16xf32>,
        %get3A_292 = vector.shape_cast %get3A_291 : vector<1x16xf32> to vector<16xf32>
        %add3A_293 = arith.constant 32 : i32
        %add3A_294 = arith.addi %add3A_293, %scan3A_274 : i32
        %get3A_295 = arith.index_cast %add3A_294 : i32 to index
        %get3A_296 = arith.constant 0 : index
        %get3A_297 = tpu.vector_load %arg6[%get3A_295, %get3A_296] {strides = array<i32>} : memref<560x16xf32, #tpu.memory_space<vmem>>, vector<1x16xf32>,
        %get3A_298 = vector.shape_cast %get3A_297 : vector<1x16xf32> to vector<16xf32>
        %add3A_299 = arith.constant 48 : i32
        %add3A_300 = arith.addi %add3A_299, %scan3A_274 : i32
        %get3A_301 = arith.index_cast %add3A_300 : i32 to index
        %get3A_302 = arith.constant 0 : index
        %get3A_303 = tpu.vector_load %arg6[%get3A_301, %get3A_302] {strides = array<i32>} : memref<560x16xf32, #tpu.memory_space<vmem>>, vector<1x16xf32>,
        %get3A_304 = vector.shape_cast %get3A_303 : vector<1x16xf32> to vector<16xf32>
        %add3A_305 = arith.constant 64 : i32
        %add3A_306 = arith.addi %add3A_305, %scan3A_274 : i32
        %get3A_307 = arith.index_cast %add3A_306 : i32 to index
        %get3A_308 = arith.constant 0 : index
        %get3A_309 = tpu.vector_load %arg6[%get3A_307, %get3A_308] {strides = array<i32>} : memref<560x16xf32, #tpu.memory_space<vmem>>, vector<1x16xf32>,
        %get3A_310 = vector.shape_cast %get3A_309 : vector<1x16xf32> to vector<16xf32>
        %add3A_311 = arith.constant 80 : i32
        %add3A_312 = arith.addi %add3A_311, %scan3A_274 : i32
        %get3A_313 = arith.index_cast %add3A_312 : i32 to index
        %get3A_314 = arith.constant 0 : index
        %get3A_315 = tpu.vector_load %arg6[%get3A_313, %get3A_314] {strides = array<i32>} : memref<560x16xf32, #tpu.memory_space<vmem>>, vector<1x16xf32>,
        %get3A_316 = vector.shape_cast %get3A_315 : vector<1x16xf32> to vector<16xf32>
        %add3A_317 = arith.constant 96 : i32
        %add3A_318 = arith.addi %add3A_317, %scan3A_274 : i32
        %get3A_319 = arith.index_cast %add3A_318 : i32 to index
        %get3A_320 = arith.constant 0 : index
        %get3A_321 = tpu.vector_load %arg6[%get3A_319, %get3A_320] {strides = array<i32>} : memref<560x16xf32, #tpu.memory_space<vmem>>, vector<1x16xf32>,
        %get3A_322 = vector.shape_cast %get3A_321 : vector<1x16xf32> to vector<16xf32>
        %add3A_323 = arith.constant 112 : i32
        %add3A_324 = arith.addi %add3A_323, %scan3A_274 : i32
        %get3A_325 = arith.index_cast %add3A_324 : i32 to index
        %get3A_326 = arith.constant 0 : index
        %get3A_327 = tpu.vector_load %arg6[%get3A_325, %get3A_326] {strides = array<i32>} : memref<560x16xf32, #tpu.memory_space<vmem>>, vector<1x16xf32>,
        %get3A_328 = vector.shape_cast %get3A_327 : vector<1x16xf32> to vector<16xf32>
        %add3A_329 = arith.constant 128 : i32
        %add3A_330 = arith.addi %add3A_329, %scan3A_274 : i32
        %get3A_331 = arith.index_cast %add3A_330 : i32 to index
        %get3A_332 = arith.constant 0 : index
        %get3A_333 = tpu.vector_load %arg6[%get3A_331, %get3A_332] {strides = array<i32>} : memref<560x16xf32, #tpu.memory_space<vmem>>, vector<1x16xf32>,
        %get3A_334 = vector.shape_cast %get3A_333 : vector<1x16xf32> to vector<16xf32>
        %add3A_335 = arith.constant 144 : i32
        %add3A_336 = arith.addi %add3A_335, %scan3A_274 : i32
        %get3A_337 = arith.index_cast %add3A_336 : i32 to index
        %get3A_338 = arith.constant 0 : index
        %get3A_339 = tpu.vector_load %arg6[%get3A_337, %get3A_338] {strides = array<i32>} : memref<560x16xf32, #tpu.memory_space<vmem>>, vector<1x16xf32>,
        %get3A_340 = vector.shape_cast %get3A_339 : vector<1x16xf32> to vector<16xf32>
        %add3A_341 = arith.constant 160 : i32
        %add3A_342 = arith.addi %add3A_341, %scan3A_274 : i32
        %get3A_343 = arith.index_cast %add3A_342 : i32 to index
        %get3A_344 = arith.constant 0 : index
        %get3A_345 = tpu.vector_load %arg6[%get3A_343, %get3A_344] {strides = array<i32>} : memref<560x16xf32, #tpu.memory_space<vmem>>, vector<1x16xf32>,
        %get3A_346 = vector.shape_cast %get3A_345 : vector<1x16xf32> to vector<16xf32>
        %add3A_347 = arith.constant 176 : i32
        %add3A_348 = arith.addi %add3A_347, %scan3A_274 : i32
        %get3A_349 = arith.index_cast %add3A_348 : i32 to index
        %get3A_350 = arith.constant 0 : index
        %get3A_351 = tpu.vector_load %arg6[%get3A_349, %get3A_350] {strides = array<i32>} : memref<560x16xf32, #tpu.memory_space<vmem>>, vector<1x16xf32>,
        %get3A_352 = vector.shape_cast %get3A_351 : vector<1x16xf32> to vector<16xf32>
        %add3A_353 = arith.constant 192 : i32
        %add3A_354 = arith.addi %add3A_353, %scan3A_274 : i32
        %get3A_355 = arith.index_cast %add3A_354 : i32 to index
        %get3A_356 = arith.constant 0 : index
        %get3A_357 = tpu.vector_load %arg6[%get3A_355, %get3A_356] {strides = array<i32>} : memref<560x16xf32, #tpu.memory_space<vmem>>, vector<1x16xf32>,
        %get3A_358 = vector.shape_cast %get3A_357 : vector<1x16xf32> to vector<16xf32>
        %add3A_359 = arith.constant 208 : i32
        %add3A_360 = arith.addi %add3A_359, %scan3A_274 : i32
        %get3A_361 = arith.index_cast %add3A_360 : i32 to index
        %get3A_362 = arith.constant 0 : index
        %get3A_363 = tpu.vector_load %arg6[%get3A_361, %get3A_362] {strides = array<i32>} : memref<560x16xf32, #tpu.memory_space<vmem>>, vector<1x16xf32>,
        %get3A_364 = vector.shape_cast %get3A_363 : vector<1x16xf32> to vector<16xf32>
        %add3A_365 = arith.constant 224 : i32
        %add3A_366 = arith.addi %add3A_365, %scan3A_274 : i32
        %get3A_367 = arith.index_cast %add3A_366 : i32 to index
        %get3A_368 = arith.constant 0 : index
        %get3A_369 = tpu.vector_load %arg6[%get3A_367, %get3A_368] {strides = array<i32>} : memref<560x16xf32, #tpu.memory_space<vmem>>, vector<1x16xf32>,
        %get3A_370 = vector.shape_cast %get3A_369 : vector<1x16xf32> to vector<16xf32>
        %add3A_371 = arith.constant 240 : i32
        %add3A_372 = arith.addi %add3A_371, %scan3A_274 : i32
        %get3A_373 = arith.index_cast %add3A_372 : i32 to index
        %get3A_374 = arith.constant 0 : index
        %get3A_375 = tpu.vector_load %arg6[%get3A_373, %get3A_374] {strides = array<i32>} : memref<560x16xf32, #tpu.memory_space<vmem>>, vector<1x16xf32>,
        %get3A_376 = vector.shape_cast %get3A_375 : vector<1x16xf32> to vector<16xf32>
        %add3A_377 = arith.constant 256 : i32
        %add3A_378 = arith.addi %add3A_377, %scan3A_274 : i32
        %get3A_379 = arith.index_cast %add3A_378 : i32 to index
        %get3A_380 = arith.constant 0 : index
        %get3A_381 = tpu.vector_load %arg6[%get3A_379, %get3A_380] {strides = array<i32>} : memref<560x16xf32, #tpu.memory_space<vmem>>, vector<1x16xf32>,
        %get3A_382 = vector.shape_cast %get3A_381 : vector<1x16xf32> to vector<16xf32>
        %add3A_383 = arith.constant 272 : i32
        %add3A_384 = arith.addi %add3A_383, %scan3A_274 : i32
        %get3A_385 = arith.index_cast %add3A_384 : i32 to index
        %get3A_386 = arith.constant 0 : index
        %get3A_387 = tpu.vector_load %arg6[%get3A_385, %get3A_386] {strides = array<i32>} : memref<560x16xf32, #tpu.memory_space<vmem>>, vector<1x16xf32>,
        %get3A_388 = vector.shape_cast %get3A_387 : vector<1x16xf32> to vector<16xf32>
        %add3A_389 = arith.constant 288 : i32
        %add3A_390 = arith.addi %add3A_389, %scan3A_274 : i32
        %get3A_391 = arith.index_cast %add3A_390 : i32 to index
        %get3A_392 = arith.constant 0 : index
        %get3A_393 = tpu.vector_load %arg6[%get3A_391, %get3A_392] {strides = array<i32>} : memref<560x16xf32, #tpu.memory_space<vmem>>, vector<1x16xf32>,
        %get3A_394 = vector.shape_cast %get3A_393 : vector<1x16xf32> to vector<16xf32>
        %add3A_395 = arith.constant 304 : i32
        %add3A_396 = arith.addi %add3A_395, %scan3A_274 : i32
        %get3A_397 = arith.index_cast %add3A_396 : i32 to index
        %get3A_398 = arith.constant 0 : index
        %get3A_399 = tpu.vector_load %arg6[%get3A_397, %get3A_398] {strides = array<i32>} : memref<560x16xf32, #tpu.memory_space<vmem>>, vector<1x16xf32>,
        %get3A_400 = vector.shape_cast %get3A_399 : vector<1x16xf32> to vector<16xf32>
        %add3A_401 = arith.constant 320 : i32
        %add3A_402 = arith.addi %add3A_401, %scan3A_274 : i32
        %get3A_403 = arith.index_cast %add3A_402 : i32 to index
        %get3A_404 = arith.constant 0 : index
        %get3A_405 = tpu.vector_load %arg6[%get3A_403, %get3A_404] {strides = array<i32>} : memref<560x16xf32, #tpu.memory_space<vmem>>, vector<1x16xf32>,
        %get3A_406 = vector.shape_cast %get3A_405 : vector<1x16xf32> to vector<16xf32>
        %add3A_407 = arith.constant 336 : i32
        %add3A_408 = arith.addi %add3A_407, %scan3A_274 : i32
        %get3A_409 = arith.index_cast %add3A_408 : i32 to index
        %get3A_410 = arith.constant 0 : index
        %get3A_411 = tpu.vector_load %arg6[%get3A_409, %get3A_410] {strides = array<i32>} : memref<560x16xf32, #tpu.memory_space<vmem>>, vector<1x16xf32>,
        %get3A_412 = vector.shape_cast %get3A_411 : vector<1x16xf32> to vector<16xf32>
        %add3A_413 = arith.constant 352 : i32
        %add3A_414 = arith.addi %add3A_413, %scan3A_274 : i32
        %get3A_415 = arith.index_cast %add3A_414 : i32 to index
        %get3A_416 = arith.constant 0 : index
        %get3A_417 = tpu.vector_load %arg6[%get3A_415, %get3A_416] {strides = array<i32>} : memref<560x16xf32, #tpu.memory_space<vmem>>, vector<1x16xf32>,
        %get3A_418 = vector.shape_cast %get3A_417 : vector<1x16xf32> to vector<16xf32>
        %add3A_419 = arith.constant 368 : i32
        %add3A_420 = arith.addi %add3A_419, %scan3A_274 : i32
        %get3A_421 = arith.index_cast %add3A_420 : i32 to index
        %get3A_422 = arith.constant 0 : index
        %get3A_423 = tpu.vector_load %arg6[%get3A_421, %get3A_422] {strides = array<i32>} : memref<560x16xf32, #tpu.memory_space<vmem>>, vector<1x16xf32>,
        %get3A_424 = vector.shape_cast %get3A_423 : vector<1x16xf32> to vector<16xf32>
        %add3A_425 = arith.constant 384 : i32
        %add3A_426 = arith.addi %add3A_425, %scan3A_274 : i32
        %get3A_427 = arith.index_cast %add3A_426 : i32 to index
        %get3A_428 = arith.constant 0 : index
        %get3A_429 = tpu.vector_load %arg6[%get3A_427, %get3A_428] {strides = array<i32>} : memref<560x16xf32, #tpu.memory_space<vmem>>, vector<1x16xf32>,
        %get3A_430 = vector.shape_cast %get3A_429 : vector<1x16xf32> to vector<16xf32>
        %add3A_431 = arith.constant 400 : i32
        %add3A_432 = arith.addi %add3A_431, %scan3A_274 : i32
        %get3A_433 = arith.index_cast %add3A_432 : i32 to index
        %get3A_434 = arith.constant 0 : index
        %get3A_435 = tpu.vector_load %arg6[%get3A_433, %get3A_434] {strides = array<i32>} : memref<560x16xf32, #tpu.memory_space<vmem>>, vector<1x16xf32>,
        %get3A_436 = vector.shape_cast %get3A_435 : vector<1x16xf32> to vector<16xf32>
        %add3A_437 = arith.constant 416 : i32
        %add3A_438 = arith.addi %add3A_437, %scan3A_274 : i32
        %get3A_439 = arith.index_cast %add3A_438 : i32 to index
        %get3A_440 = arith.constant 0 : index
        %get3A_441 = tpu.vector_load %arg6[%get3A_439, %get3A_440] {strides = array<i32>} : memref<560x16xf32, #tpu.memory_space<vmem>>, vector<1x16xf32>,
        %get3A_442 = vector.shape_cast %get3A_441 : vector<1x16xf32> to vector<16xf32>
        %add3A_443 = arith.constant 432 : i32
        %add3A_444 = arith.addi %add3A_443, %scan3A_274 : i32
        %get3A_445 = arith.index_cast %add3A_444 : i32 to index
        %get3A_446 = arith.constant 0 : index
        %get3A_447 = tpu.vector_load %arg6[%get3A_445, %get3A_446] {strides = array<i32>} : memref<560x16xf32, #tpu.memory_space<vmem>>, vector<1x16xf32>,
        %get3A_448 = vector.shape_cast %get3A_447 : vector<1x16xf32> to vector<16xf32>
        %add3A_449 = arith.constant 448 : i32
        %add3A_450 = arith.addi %add3A_449, %scan3A_274 : i32
        %get3A_451 = arith.index_cast %add3A_450 : i32 to index
        %get3A_452 = arith.constant 0 : index
        %get3A_453 = tpu.vector_load %arg6[%get3A_451, %get3A_452] {strides = array<i32>} : memref<560x16xf32, #tpu.memory_space<vmem>>, vector<1x16xf32>,
        %get3A_454 = vector.shape_cast %get3A_453 : vector<1x16xf32> to vector<16xf32>
        %add3A_455 = arith.constant 464 : i32
        %add3A_456 = arith.addi %add3A_455, %scan3A_274 : i32
        %get3A_457 = arith.index_cast %add3A_456 : i32 to index
        %get3A_458 = arith.constant 0 : index
        %get3A_459 = tpu.vector_load %arg6[%get3A_457, %get3A_458] {strides = array<i32>} : memref<560x16xf32, #tpu.memory_space<vmem>>, vector<1x16xf32>,
        %get3A_460 = vector.shape_cast %get3A_459 : vector<1x16xf32> to vector<16xf32>
        %add3A_461 = arith.constant 480 : i32
        %add3A_462 = arith.addi %add3A_461, %scan3A_274 : i32
        %get3A_463 = arith.index_cast %add3A_462 : i32 to index
        %get3A_464 = arith.constant 0 : index
        %get3A_465 = tpu.vector_load %arg6[%get3A_463, %get3A_464] {strides = array<i32>} : memref<560x16xf32, #tpu.memory_space<vmem>>, vector<1x16xf32>,
        %get3A_466 = vector.shape_cast %get3A_465 : vector<1x16xf32> to vector<16xf32>
        %add3A_467 = arith.constant 496 : i32
        %add3A_468 = arith.addi %add3A_467, %scan3A_274 : i32
        %get3A_469 = arith.index_cast %add3A_468 : i32 to index
        %get3A_470 = arith.constant 0 : index
        %get3A_471 = tpu.vector_load %arg6[%get3A_469, %get3A_470] {strides = array<i32>} : memref<560x16xf32, #tpu.memory_space<vmem>>, vector<1x16xf32>,
        %get3A_472 = vector.shape_cast %get3A_471 : vector<1x16xf32> to vector<16xf32>
        %add3A_473 = arith.constant 512 : i32
        %add3A_474 = arith.addi %add3A_473, %scan3A_274 : i32
        %get3A_475 = arith.index_cast %add3A_474 : i32 to index
        %get3A_476 = arith.constant 0 : index
        %get3A_477 = tpu.vector_load %arg6[%get3A_475, %get3A_476] {strides = array<i32>} : memref<560x16xf32, #tpu.memory_space<vmem>>, vector<1x16xf32>,
        %get3A_478 = vector.shape_cast %get3A_477 : vector<1x16xf32> to vector<16xf32>
        %add3A_479 = arith.constant 528 : i32
        %add3A_480 = arith.addi %add3A_479, %scan3A_274 : i32
        %get3A_481 = arith.index_cast %add3A_480 : i32 to index
        %get3A_482 = arith.constant 0 : index
        %get3A_483 = tpu.vector_load %arg6[%get3A_481, %get3A_482] {strides = array<i32>} : memref<560x16xf32, #tpu.memory_space<vmem>>, vector<1x16xf32>,
        %get3A_484 = vector.shape_cast %get3A_483 : vector<1x16xf32> to vector<16xf32>
        %mul3A_485 = arith.constant 16 : i32
        %mul3A_486 = arith.muli %mul3A_485, %scan3A_8 : i32
        %get3A_487 = arith.constant 0 : i32
        %get3A_488 = arith.index_cast %get3A_487 : i32 to index
        %get3A_489 = arith.index_cast %mul3A_486 : i32 to index
        %get3A_490 = tpu.vector_load %arg5[%get3A_488, %get3A_489] {strides = array<i32>} : memref<42x256xf32, #tpu.memory_space<vmem>>, vector<1x16xf32>,
        %get3A_491 = vector.shape_cast %get3A_490 : vector<1x16xf32> to vector<16xf32>
        %mul3A_492 = arith.mulf %get3A_491, %get3A_286 : vector<16xf32>
        %add3A_493 = arith.addf %get3A_478, %mul3A_492 : vector<16xf32>
        %mul3A_494 = arith.mulf %get3A_491, %get3A_370 : vector<16xf32>
        %add3A_495 = arith.addf %get3A_484, %mul3A_494 : vector<16xf32>
        %mul3A_496 = arith.constant 16 : i32
        %mul3A_497 = arith.muli %mul3A_496, %scan3A_8 : i32
        %get3A_498 = arith.constant 1 : i32
        %get3A_499 = arith.index_cast %get3A_498 : i32 to index
        %get3A_500 = arith.index_cast %mul3A_497 : i32 to index
        %get3A_501 = tpu.vector_load %arg5[%get3A_499, %get3A_500] {strides = array<i32>} : memref<42x256xf32, #tpu.memory_space<vmem>>, vector<1x16xf32>,
        %get3A_502 = vector.shape_cast %get3A_501 : vector<1x16xf32> to vector<16xf32>
        %mul3A_503 = arith.mulf %get3A_502, %get3A_292 : vector<16xf32>
        %add3A_504 = arith.addf %add3A_493, %mul3A_503 : vector<16xf32>
        %mul3A_505 = arith.mulf %get3A_502, %get3A_376 : vector<16xf32>
        %add3A_506 = arith.addf %add3A_495, %mul3A_505 : vector<16xf32>
        %mul3A_507 = arith.constant 16 : i32
        %mul3A_508 = arith.muli %mul3A_507, %scan3A_8 : i32
        %get3A_509 = arith.constant 2 : i32
        %get3A_510 = arith.index_cast %get3A_509 : i32 to index
        %get3A_511 = arith.index_cast %mul3A_508 : i32 to index
        %get3A_512 = tpu.vector_load %arg5[%get3A_510, %get3A_511] {strides = array<i32>} : memref<42x256xf32, #tpu.memory_space<vmem>>, vector<1x16xf32>,
        %get3A_513 = vector.shape_cast %get3A_512 : vector<1x16xf32> to vector<16xf32>
        %mul3A_514 = arith.mulf %get3A_513, %get3A_298 : vector<16xf32>
        %add3A_515 = arith.addf %add3A_504, %mul3A_514 : vector<16xf32>
        %mul3A_516 = arith.mulf %get3A_513, %get3A_382 : vector<16xf32>
        %add3A_517 = arith.addf %add3A_506, %mul3A_516 : vector<16xf32>
        %mul3A_518 = arith.constant 16 : i32
        %mul3A_519 = arith.muli %mul3A_518, %scan3A_8 : i32
        %get3A_520 = arith.constant 3 : i32
        %get3A_521 = arith.index_cast %get3A_520 : i32 to index
        %get3A_522 = arith.index_cast %mul3A_519 : i32 to index
        %get3A_523 = tpu.vector_load %arg5[%get3A_521, %get3A_522] {strides = array<i32>} : memref<42x256xf32, #tpu.memory_space<vmem>>, vector<1x16xf32>,
        %get3A_524 = vector.shape_cast %get3A_523 : vector<1x16xf32> to vector<16xf32>
        %mul3A_525 = arith.mulf %get3A_524, %get3A_304 : vector<16xf32>
        %add3A_526 = arith.addf %add3A_515, %mul3A_525 : vector<16xf32>
        %mul3A_527 = arith.mulf %get3A_524, %get3A_388 : vector<16xf32>
        %add3A_528 = arith.addf %add3A_517, %mul3A_527 : vector<16xf32>
        %mul3A_529 = arith.constant 16 : i32
        %mul3A_530 = arith.muli %mul3A_529, %scan3A_8 : i32
        %get3A_531 = arith.constant 4 : i32
        %get3A_532 = arith.index_cast %get3A_531 : i32 to index
        %get3A_533 = arith.index_cast %mul3A_530 : i32 to index
        %get3A_534 = tpu.vector_load %arg5[%get3A_532, %get3A_533] {strides = array<i32>} : memref<42x256xf32, #tpu.memory_space<vmem>>, vector<1x16xf32>,
        %get3A_535 = vector.shape_cast %get3A_534 : vector<1x16xf32> to vector<16xf32>
        %mul3A_536 = arith.mulf %get3A_535, %get3A_310 : vector<16xf32>
        %add3A_537 = arith.addf %add3A_526, %mul3A_536 : vector<16xf32>
        %mul3A_538 = arith.mulf %get3A_535, %get3A_394 : vector<16xf32>
        %add3A_539 = arith.addf %add3A_528, %mul3A_538 : vector<16xf32>
        %mul3A_540 = arith.constant 16 : i32
        %mul3A_541 = arith.muli %mul3A_540, %scan3A_8 : i32
        %get3A_542 = arith.constant 5 : i32
        %get3A_543 = arith.index_cast %get3A_542 : i32 to index
        %get3A_544 = arith.index_cast %mul3A_541 : i32 to index
        %get3A_545 = tpu.vector_load %arg5[%get3A_543, %get3A_544] {strides = array<i32>} : memref<42x256xf32, #tpu.memory_space<vmem>>, vector<1x16xf32>,
        %get3A_546 = vector.shape_cast %get3A_545 : vector<1x16xf32> to vector<16xf32>
        %mul3A_547 = arith.mulf %get3A_546, %get3A_316 : vector<16xf32>
        %add3A_548 = arith.addf %add3A_537, %mul3A_547 : vector<16xf32>
        %mul3A_549 = arith.mulf %get3A_546, %get3A_400 : vector<16xf32>
        %add3A_550 = arith.addf %add3A_539, %mul3A_549 : vector<16xf32>
        %mul3A_551 = arith.constant 16 : i32
        %mul3A_552 = arith.muli %mul3A_551, %scan3A_8 : i32
        %get3A_553 = arith.constant 6 : i32
        %get3A_554 = arith.index_cast %get3A_553 : i32 to index
        %get3A_555 = arith.index_cast %mul3A_552 : i32 to index
        %get3A_556 = tpu.vector_load %arg5[%get3A_554, %get3A_555] {strides = array<i32>} : memref<42x256xf32, #tpu.memory_space<vmem>>, vector<1x16xf32>,
        %get3A_557 = vector.shape_cast %get3A_556 : vector<1x16xf32> to vector<16xf32>
        %mul3A_558 = arith.mulf %get3A_557, %get3A_322 : vector<16xf32>
        %add3A_559 = arith.addf %add3A_548, %mul3A_558 : vector<16xf32>
        %mul3A_560 = arith.mulf %get3A_557, %get3A_406 : vector<16xf32>
        %add3A_561 = arith.addf %add3A_550, %mul3A_560 : vector<16xf32>
        %mul3A_562 = arith.constant 16 : i32
        %mul3A_563 = arith.muli %mul3A_562, %scan3A_8 : i32
        %get3A_564 = arith.constant 7 : i32
        %get3A_565 = arith.index_cast %get3A_564 : i32 to index
        %get3A_566 = arith.index_cast %mul3A_563 : i32 to index
        %get3A_567 = tpu.vector_load %arg5[%get3A_565, %get3A_566] {strides = array<i32>} : memref<42x256xf32, #tpu.memory_space<vmem>>, vector<1x16xf32>,
        %get3A_568 = vector.shape_cast %get3A_567 : vector<1x16xf32> to vector<16xf32>
        %mul3A_569 = arith.mulf %get3A_568, %get3A_328 : vector<16xf32>
        %add3A_570 = arith.addf %add3A_559, %mul3A_569 : vector<16xf32>
        %mul3A_571 = arith.mulf %get3A_568, %get3A_412 : vector<16xf32>
        %add3A_572 = arith.addf %add3A_561, %mul3A_571 : vector<16xf32>
        %mul3A_573 = arith.constant 16 : i32
        %mul3A_574 = arith.muli %mul3A_573, %scan3A_8 : i32
        %get3A_575 = arith.constant 8 : i32
        %get3A_576 = arith.index_cast %get3A_575 : i32 to index
        %get3A_577 = arith.index_cast %mul3A_574 : i32 to index
        %get3A_578 = tpu.vector_load %arg5[%get3A_576, %get3A_577] {strides = array<i32>} : memref<42x256xf32, #tpu.memory_space<vmem>>, vector<1x16xf32>,
        %get3A_579 = vector.shape_cast %get3A_578 : vector<1x16xf32> to vector<16xf32>
        %mul3A_580 = arith.mulf %get3A_579, %get3A_334 : vector<16xf32>
        %add3A_581 = arith.addf %add3A_570, %mul3A_580 : vector<16xf32>
        %mul3A_582 = arith.mulf %get3A_579, %get3A_418 : vector<16xf32>
        %add3A_583 = arith.addf %add3A_572, %mul3A_582 : vector<16xf32>
        %mul3A_584 = arith.constant 16 : i32
        %mul3A_585 = arith.muli %mul3A_584, %scan3A_8 : i32
        %get3A_586 = arith.constant 9 : i32
        %get3A_587 = arith.index_cast %get3A_586 : i32 to index
        %get3A_588 = arith.index_cast %mul3A_585 : i32 to index
        %get3A_589 = tpu.vector_load %arg5[%get3A_587, %get3A_588] {strides = array<i32>} : memref<42x256xf32, #tpu.memory_space<vmem>>, vector<1x16xf32>,
        %get3A_590 = vector.shape_cast %get3A_589 : vector<1x16xf32> to vector<16xf32>
        %mul3A_591 = arith.mulf %get3A_590, %get3A_340 : vector<16xf32>
        %add3A_592 = arith.addf %add3A_581, %mul3A_591 : vector<16xf32>
        %mul3A_593 = arith.mulf %get3A_590, %get3A_424 : vector<16xf32>
        %add3A_594 = arith.addf %add3A_583, %mul3A_593 : vector<16xf32>
        %mul3A_595 = arith.constant 16 : i32
        %mul3A_596 = arith.muli %mul3A_595, %scan3A_8 : i32
        %get3A_597 = arith.constant 10 : i32
        %get3A_598 = arith.index_cast %get3A_597 : i32 to index
        %get3A_599 = arith.index_cast %mul3A_596 : i32 to index
        %get3A_600 = tpu.vector_load %arg5[%get3A_598, %get3A_599] {strides = array<i32>} : memref<42x256xf32, #tpu.memory_space<vmem>>, vector<1x16xf32>,
        %get3A_601 = vector.shape_cast %get3A_600 : vector<1x16xf32> to vector<16xf32>
        %mul3A_602 = arith.mulf %get3A_601, %get3A_346 : vector<16xf32>
        %add3A_603 = arith.addf %add3A_592, %mul3A_602 : vector<16xf32>
        %mul3A_604 = arith.mulf %get3A_601, %get3A_430 : vector<16xf32>
        %add3A_605 = arith.addf %add3A_594, %mul3A_604 : vector<16xf32>
        %mul3A_606 = arith.constant 16 : i32
        %mul3A_607 = arith.muli %mul3A_606, %scan3A_8 : i32
        %get3A_608 = arith.constant 11 : i32
        %get3A_609 = arith.index_cast %get3A_608 : i32 to index
        %get3A_610 = arith.index_cast %mul3A_607 : i32 to index
        %get3A_611 = tpu.vector_load %arg5[%get3A_609, %get3A_610] {strides = array<i32>} : memref<42x256xf32, #tpu.memory_space<vmem>>, vector<1x16xf32>,
        %get3A_612 = vector.shape_cast %get3A_611 : vector<1x16xf32> to vector<16xf32>
        %mul3A_613 = arith.mulf %get3A_612, %get3A_352 : vector<16xf32>
        %add3A_614 = arith.addf %add3A_603, %mul3A_613 : vector<16xf32>
        %mul3A_615 = arith.mulf %get3A_612, %get3A_436 : vector<16xf32>
        %add3A_616 = arith.addf %add3A_605, %mul3A_615 : vector<16xf32>
        %mul3A_617 = arith.constant 16 : i32
        %mul3A_618 = arith.muli %mul3A_617, %scan3A_8 : i32
        %get3A_619 = arith.constant 12 : i32
        %get3A_620 = arith.index_cast %get3A_619 : i32 to index
        %get3A_621 = arith.index_cast %mul3A_618 : i32 to index
        %get3A_622 = tpu.vector_load %arg5[%get3A_620, %get3A_621] {strides = array<i32>} : memref<42x256xf32, #tpu.memory_space<vmem>>, vector<1x16xf32>,
        %get3A_623 = vector.shape_cast %get3A_622 : vector<1x16xf32> to vector<16xf32>
        %mul3A_624 = arith.mulf %get3A_623, %get3A_358 : vector<16xf32>
        %add3A_625 = arith.addf %add3A_614, %mul3A_624 : vector<16xf32>
        %mul3A_626 = arith.mulf %get3A_623, %get3A_442 : vector<16xf32>
        %add3A_627 = arith.addf %add3A_616, %mul3A_626 : vector<16xf32>
        %mul3A_628 = arith.constant 16 : i32
        %mul3A_629 = arith.muli %mul3A_628, %scan3A_8 : i32
        %get3A_630 = arith.constant 13 : i32
        %get3A_631 = arith.index_cast %get3A_630 : i32 to index
        %get3A_632 = arith.index_cast %mul3A_629 : i32 to index
        %get3A_633 = tpu.vector_load %arg5[%get3A_631, %get3A_632] {strides = array<i32>} : memref<42x256xf32, #tpu.memory_space<vmem>>, vector<1x16xf32>,
        %get3A_634 = vector.shape_cast %get3A_633 : vector<1x16xf32> to vector<16xf32>
        %mul3A_635 = arith.mulf %get3A_634, %get3A_364 : vector<16xf32>
        %add3A_636 = arith.addf %add3A_625, %mul3A_635 : vector<16xf32>
        %mul3A_637 = arith.mulf %get3A_634, %get3A_448 : vector<16xf32>
        %add3A_638 = arith.addf %add3A_627, %mul3A_637 : vector<16xf32>
        %mul3A_639 = arith.constant 16 : i32
        %mul3A_640 = arith.muli %mul3A_639, %scan3A_8 : i32
        %get3A_641 = arith.constant 14 : i32
        %get3A_642 = arith.index_cast %get3A_641 : i32 to index
        %get3A_643 = arith.index_cast %mul3A_640 : i32 to index
        %get3A_644 = tpu.vector_load %arg5[%get3A_642, %get3A_643] {strides = array<i32>} : memref<42x256xf32, #tpu.memory_space<vmem>>, vector<1x16xf32>,
        %get3A_645 = vector.shape_cast %get3A_644 : vector<1x16xf32> to vector<16xf32>
        %mul3A_646 = arith.mulf %get3A_645, %get3A_286 : vector<16xf32>
        %add3A_647 = arith.addf %get3A_478, %mul3A_646 : vector<16xf32>
        %mul3A_648 = arith.mulf %get3A_645, %get3A_370 : vector<16xf32>
        %add3A_649 = arith.addf %get3A_484, %mul3A_648 : vector<16xf32>
        %mul3A_650 = arith.constant 16 : i32
        %mul3A_651 = arith.muli %mul3A_650, %scan3A_8 : i32
        %get3A_652 = arith.constant 15 : i32
        %get3A_653 = arith.index_cast %get3A_652 : i32 to index
        %get3A_654 = arith.index_cast %mul3A_651 : i32 to index
        %get3A_655 = tpu.vector_load %arg5[%get3A_653, %get3A_654] {strides = array<i32>} : memref<42x256xf32, #tpu.memory_space<vmem>>, vector<1x16xf32>,
        %get3A_656 = vector.shape_cast %get3A_655 : vector<1x16xf32> to vector<16xf32>
        %mul3A_657 = arith.mulf %get3A_656, %get3A_292 : vector<16xf32>
        %add3A_658 = arith.addf %add3A_647, %mul3A_657 : vector<16xf32>
        %mul3A_659 = arith.mulf %get3A_656, %get3A_376 : vector<16xf32>
        %add3A_660 = arith.addf %add3A_649, %mul3A_659 : vector<16xf32>
        %mul3A_661 = arith.constant 16 : i32
        %mul3A_662 = arith.muli %mul3A_661, %scan3A_8 : i32
        %get3A_663 = arith.constant 16 : i32
        %get3A_664 = arith.index_cast %get3A_663 : i32 to index
        %get3A_665 = arith.index_cast %mul3A_662 : i32 to index
        %get3A_666 = tpu.vector_load %arg5[%get3A_664, %get3A_665] {strides = array<i32>} : memref<42x256xf32, #tpu.memory_space<vmem>>, vector<1x16xf32>,
        %get3A_667 = vector.shape_cast %get3A_666 : vector<1x16xf32> to vector<16xf32>
        %mul3A_668 = arith.mulf %get3A_667, %get3A_298 : vector<16xf32>
        %add3A_669 = arith.addf %add3A_658, %mul3A_668 : vector<16xf32>
        %mul3A_670 = arith.mulf %get3A_667, %get3A_382 : vector<16xf32>
        %add3A_671 = arith.addf %add3A_660, %mul3A_670 : vector<16xf32>
        %mul3A_672 = arith.constant 16 : i32
        %mul3A_673 = arith.muli %mul3A_672, %scan3A_8 : i32
        %get3A_674 = arith.constant 17 : i32
        %get3A_675 = arith.index_cast %get3A_674 : i32 to index
        %get3A_676 = arith.index_cast %mul3A_673 : i32 to index
        %get3A_677 = tpu.vector_load %arg5[%get3A_675, %get3A_676] {strides = array<i32>} : memref<42x256xf32, #tpu.memory_space<vmem>>, vector<1x16xf32>,
        %get3A_678 = vector.shape_cast %get3A_677 : vector<1x16xf32> to vector<16xf32>
        %mul3A_679 = arith.mulf %get3A_678, %get3A_304 : vector<16xf32>
        %add3A_680 = arith.addf %add3A_669, %mul3A_679 : vector<16xf32>
        %mul3A_681 = arith.mulf %get3A_678, %get3A_388 : vector<16xf32>
        %add3A_682 = arith.addf %add3A_671, %mul3A_681 : vector<16xf32>
        %mul3A_683 = arith.constant 16 : i32
        %mul3A_684 = arith.muli %mul3A_683, %scan3A_8 : i32
        %get3A_685 = arith.constant 18 : i32
        %get3A_686 = arith.index_cast %get3A_685 : i32 to index
        %get3A_687 = arith.index_cast %mul3A_684 : i32 to index
        %get3A_688 = tpu.vector_load %arg5[%get3A_686, %get3A_687] {strides = array<i32>} : memref<42x256xf32, #tpu.memory_space<vmem>>, vector<1x16xf32>,
        %get3A_689 = vector.shape_cast %get3A_688 : vector<1x16xf32> to vector<16xf32>
        %mul3A_690 = arith.mulf %get3A_689, %get3A_310 : vector<16xf32>
        %add3A_691 = arith.addf %add3A_680, %mul3A_690 : vector<16xf32>
        %mul3A_692 = arith.mulf %get3A_689, %get3A_394 : vector<16xf32>
        %add3A_693 = arith.addf %add3A_682, %mul3A_692 : vector<16xf32>
        %mul3A_694 = arith.constant 16 : i32
        %mul3A_695 = arith.muli %mul3A_694, %scan3A_8 : i32
        %get3A_696 = arith.constant 19 : i32
        %get3A_697 = arith.index_cast %get3A_696 : i32 to index
        %get3A_698 = arith.index_cast %mul3A_695 : i32 to index
        %get3A_699 = tpu.vector_load %arg5[%get3A_697, %get3A_698] {strides = array<i32>} : memref<42x256xf32, #tpu.memory_space<vmem>>, vector<1x16xf32>,
        %get3A_700 = vector.shape_cast %get3A_699 : vector<1x16xf32> to vector<16xf32>
        %mul3A_701 = arith.mulf %get3A_700, %get3A_316 : vector<16xf32>
        %add3A_702 = arith.addf %add3A_691, %mul3A_701 : vector<16xf32>
        %mul3A_703 = arith.mulf %get3A_700, %get3A_400 : vector<16xf32>
        %add3A_704 = arith.addf %add3A_693, %mul3A_703 : vector<16xf32>
        %mul3A_705 = arith.constant 16 : i32
        %mul3A_706 = arith.muli %mul3A_705, %scan3A_8 : i32
        %get3A_707 = arith.constant 20 : i32
        %get3A_708 = arith.index_cast %get3A_707 : i32 to index
        %get3A_709 = arith.index_cast %mul3A_706 : i32 to index
        %get3A_710 = tpu.vector_load %arg5[%get3A_708, %get3A_709] {strides = array<i32>} : memref<42x256xf32, #tpu.memory_space<vmem>>, vector<1x16xf32>,
        %get3A_711 = vector.shape_cast %get3A_710 : vector<1x16xf32> to vector<16xf32>
        %mul3A_712 = arith.mulf %get3A_711, %get3A_322 : vector<16xf32>
        %add3A_713 = arith.addf %add3A_702, %mul3A_712 : vector<16xf32>
        %mul3A_714 = arith.mulf %get3A_711, %get3A_406 : vector<16xf32>
        %add3A_715 = arith.addf %add3A_704, %mul3A_714 : vector<16xf32>
        %mul3A_716 = arith.constant 16 : i32
        %mul3A_717 = arith.muli %mul3A_716, %scan3A_8 : i32
        %get3A_718 = arith.constant 21 : i32
        %get3A_719 = arith.index_cast %get3A_718 : i32 to index
        %get3A_720 = arith.index_cast %mul3A_717 : i32 to index
        %get3A_721 = tpu.vector_load %arg5[%get3A_719, %get3A_720] {strides = array<i32>} : memref<42x256xf32, #tpu.memory_space<vmem>>, vector<1x16xf32>,
        %get3A_722 = vector.shape_cast %get3A_721 : vector<1x16xf32> to vector<16xf32>
        %mul3A_723 = arith.mulf %get3A_722, %get3A_328 : vector<16xf32>
        %add3A_724 = arith.addf %add3A_713, %mul3A_723 : vector<16xf32>
        %mul3A_725 = arith.mulf %get3A_722, %get3A_412 : vector<16xf32>
        %add3A_726 = arith.addf %add3A_715, %mul3A_725 : vector<16xf32>
        %mul3A_727 = arith.constant 16 : i32
        %mul3A_728 = arith.muli %mul3A_727, %scan3A_8 : i32
        %get3A_729 = arith.constant 22 : i32
        %get3A_730 = arith.index_cast %get3A_729 : i32 to index
        %get3A_731 = arith.index_cast %mul3A_728 : i32 to index
        %get3A_732 = tpu.vector_load %arg5[%get3A_730, %get3A_731] {strides = array<i32>} : memref<42x256xf32, #tpu.memory_space<vmem>>, vector<1x16xf32>,
        %get3A_733 = vector.shape_cast %get3A_732 : vector<1x16xf32> to vector<16xf32>
        %mul3A_734 = arith.mulf %get3A_733, %get3A_334 : vector<16xf32>
        %add3A_735 = arith.addf %add3A_724, %mul3A_734 : vector<16xf32>
        %mul3A_736 = arith.mulf %get3A_733, %get3A_418 : vector<16xf32>
        %add3A_737 = arith.addf %add3A_726, %mul3A_736 : vector<16xf32>
        %mul3A_738 = arith.constant 16 : i32
        %mul3A_739 = arith.muli %mul3A_738, %scan3A_8 : i32
        %get3A_740 = arith.constant 23 : i32
        %get3A_741 = arith.index_cast %get3A_740 : i32 to index
        %get3A_742 = arith.index_cast %mul3A_739 : i32 to index
        %get3A_743 = tpu.vector_load %arg5[%get3A_741, %get3A_742] {strides = array<i32>} : memref<42x256xf32, #tpu.memory_space<vmem>>, vector<1x16xf32>,
        %get3A_744 = vector.shape_cast %get3A_743 : vector<1x16xf32> to vector<16xf32>
        %mul3A_745 = arith.mulf %get3A_744, %get3A_340 : vector<16xf32>
        %add3A_746 = arith.addf %add3A_735, %mul3A_745 : vector<16xf32>
        %mul3A_747 = arith.mulf %get3A_744, %get3A_424 : vector<16xf32>
        %add3A_748 = arith.addf %add3A_737, %mul3A_747 : vector<16xf32>
        %mul3A_749 = arith.constant 16 : i32
        %mul3A_750 = arith.muli %mul3A_749, %scan3A_8 : i32
        %get3A_751 = arith.constant 24 : i32
        %get3A_752 = arith.index_cast %get3A_751 : i32 to index
        %get3A_753 = arith.index_cast %mul3A_750 : i32 to index
        %get3A_754 = tpu.vector_load %arg5[%get3A_752, %get3A_753] {strides = array<i32>} : memref<42x256xf32, #tpu.memory_space<vmem>>, vector<1x16xf32>,
        %get3A_755 = vector.shape_cast %get3A_754 : vector<1x16xf32> to vector<16xf32>
        %mul3A_756 = arith.mulf %get3A_755, %get3A_346 : vector<16xf32>
        %add3A_757 = arith.addf %add3A_746, %mul3A_756 : vector<16xf32>
        %mul3A_758 = arith.mulf %get3A_755, %get3A_430 : vector<16xf32>
        %add3A_759 = arith.addf %add3A_748, %mul3A_758 : vector<16xf32>
        %mul3A_760 = arith.constant 16 : i32
        %mul3A_761 = arith.muli %mul3A_760, %scan3A_8 : i32
        %get3A_762 = arith.constant 25 : i32
        %get3A_763 = arith.index_cast %get3A_762 : i32 to index
        %get3A_764 = arith.index_cast %mul3A_761 : i32 to index
        %get3A_765 = tpu.vector_load %arg5[%get3A_763, %get3A_764] {strides = array<i32>} : memref<42x256xf32, #tpu.memory_space<vmem>>, vector<1x16xf32>,
        %get3A_766 = vector.shape_cast %get3A_765 : vector<1x16xf32> to vector<16xf32>
        %mul3A_767 = arith.mulf %get3A_766, %get3A_352 : vector<16xf32>
        %add3A_768 = arith.addf %add3A_757, %mul3A_767 : vector<16xf32>
        %mul3A_769 = arith.mulf %get3A_766, %get3A_436 : vector<16xf32>
        %add3A_770 = arith.addf %add3A_759, %mul3A_769 : vector<16xf32>
        %mul3A_771 = arith.constant 16 : i32
        %mul3A_772 = arith.muli %mul3A_771, %scan3A_8 : i32
        %get3A_773 = arith.constant 26 : i32
        %get3A_774 = arith.index_cast %get3A_773 : i32 to index
        %get3A_775 = arith.index_cast %mul3A_772 : i32 to index
        %get3A_776 = tpu.vector_load %arg5[%get3A_774, %get3A_775] {strides = array<i32>} : memref<42x256xf32, #tpu.memory_space<vmem>>, vector<1x16xf32>,
        %get3A_777 = vector.shape_cast %get3A_776 : vector<1x16xf32> to vector<16xf32>
        %mul3A_778 = arith.mulf %get3A_777, %get3A_358 : vector<16xf32>
        %add3A_779 = arith.addf %add3A_768, %mul3A_778 : vector<16xf32>
        %mul3A_780 = arith.mulf %get3A_777, %get3A_442 : vector<16xf32>
        %add3A_781 = arith.addf %add3A_770, %mul3A_780 : vector<16xf32>
        %mul3A_782 = arith.constant 16 : i32
        %mul3A_783 = arith.muli %mul3A_782, %scan3A_8 : i32
        %get3A_784 = arith.constant 27 : i32
        %get3A_785 = arith.index_cast %get3A_784 : i32 to index
        %get3A_786 = arith.index_cast %mul3A_783 : i32 to index
        %get3A_787 = tpu.vector_load %arg5[%get3A_785, %get3A_786] {strides = array<i32>} : memref<42x256xf32, #tpu.memory_space<vmem>>, vector<1x16xf32>,
        %get3A_788 = vector.shape_cast %get3A_787 : vector<1x16xf32> to vector<16xf32>
        %mul3A_789 = arith.mulf %get3A_788, %get3A_364 : vector<16xf32>
        %add3A_790 = arith.addf %add3A_779, %mul3A_789 : vector<16xf32>
        %mul3A_791 = arith.mulf %get3A_788, %get3A_448 : vector<16xf32>
        %add3A_792 = arith.addf %add3A_781, %mul3A_791 : vector<16xf32>
        %mul3A_793 = arith.constant 16 : i32
        %mul3A_794 = arith.muli %mul3A_793, %scan3A_8 : i32
        %get3A_795 = arith.constant 28 : i32
        %get3A_796 = arith.index_cast %get3A_795 : i32 to index
        %get3A_797 = arith.index_cast %mul3A_794 : i32 to index
        %get3A_798 = tpu.vector_load %arg5[%get3A_796, %get3A_797] {strides = array<i32>} : memref<42x256xf32, #tpu.memory_space<vmem>>, vector<1x16xf32>,
        %get3A_799 = vector.shape_cast %get3A_798 : vector<1x16xf32> to vector<16xf32>
        %mul3A_800 = arith.mulf %get3A_799, %get3A_286 : vector<16xf32>
        %add3A_801 = arith.addf %get3A_478, %mul3A_800 : vector<16xf32>
        %mul3A_802 = arith.mulf %get3A_799, %get3A_370 : vector<16xf32>
        %add3A_803 = arith.addf %get3A_484, %mul3A_802 : vector<16xf32>
        %mul3A_804 = arith.constant 16 : i32
        %mul3A_805 = arith.muli %mul3A_804, %scan3A_8 : i32
        %get3A_806 = arith.constant 29 : i32
        %get3A_807 = arith.index_cast %get3A_806 : i32 to index
        %get3A_808 = arith.index_cast %mul3A_805 : i32 to index
        %get3A_809 = tpu.vector_load %arg5[%get3A_807, %get3A_808] {strides = array<i32>} : memref<42x256xf32, #tpu.memory_space<vmem>>, vector<1x16xf32>,
        %get3A_810 = vector.shape_cast %get3A_809 : vector<1x16xf32> to vector<16xf32>
        %mul3A_811 = arith.mulf %get3A_810, %get3A_292 : vector<16xf32>
        %add3A_812 = arith.addf %add3A_801, %mul3A_811 : vector<16xf32>
        %mul3A_813 = arith.mulf %get3A_810, %get3A_376 : vector<16xf32>
        %add3A_814 = arith.addf %add3A_803, %mul3A_813 : vector<16xf32>
        %mul3A_815 = arith.constant 16 : i32
        %mul3A_816 = arith.muli %mul3A_815, %scan3A_8 : i32
        %get3A_817 = arith.constant 30 : i32
        %get3A_818 = arith.index_cast %get3A_817 : i32 to index
        %get3A_819 = arith.index_cast %mul3A_816 : i32 to index
        %get3A_820 = tpu.vector_load %arg5[%get3A_818, %get3A_819] {strides = array<i32>} : memref<42x256xf32, #tpu.memory_space<vmem>>, vector<1x16xf32>,
        %get3A_821 = vector.shape_cast %get3A_820 : vector<1x16xf32> to vector<16xf32>
        %mul3A_822 = arith.mulf %get3A_821, %get3A_298 : vector<16xf32>
        %add3A_823 = arith.addf %add3A_812, %mul3A_822 : vector<16xf32>
        %mul3A_824 = arith.mulf %get3A_821, %get3A_382 : vector<16xf32>
        %add3A_825 = arith.addf %add3A_814, %mul3A_824 : vector<16xf32>
        %mul3A_826 = arith.constant 16 : i32
        %mul3A_827 = arith.muli %mul3A_826, %scan3A_8 : i32
        %get3A_828 = arith.constant 31 : i32
        %get3A_829 = arith.index_cast %get3A_828 : i32 to index
        %get3A_830 = arith.index_cast %mul3A_827 : i32 to index
        %get3A_831 = tpu.vector_load %arg5[%get3A_829, %get3A_830] {strides = array<i32>} : memref<42x256xf32, #tpu.memory_space<vmem>>, vector<1x16xf32>,
        %get3A_832 = vector.shape_cast %get3A_831 : vector<1x16xf32> to vector<16xf32>
        %mul3A_833 = arith.mulf %get3A_832, %get3A_304 : vector<16xf32>
        %add3A_834 = arith.addf %add3A_823, %mul3A_833 : vector<16xf32>
        %mul3A_835 = arith.mulf %get3A_832, %get3A_388 : vector<16xf32>
        %add3A_836 = arith.addf %add3A_825, %mul3A_835 : vector<16xf32>
        %mul3A_837 = arith.constant 16 : i32
        %mul3A_838 = arith.muli %mul3A_837, %scan3A_8 : i32
        %get3A_839 = arith.constant 32 : i32
        %get3A_840 = arith.index_cast %get3A_839 : i32 to index
        %get3A_841 = arith.index_cast %mul3A_838 : i32 to index
        %get3A_842 = tpu.vector_load %arg5[%get3A_840, %get3A_841] {strides = array<i32>} : memref<42x256xf32, #tpu.memory_space<vmem>>, vector<1x16xf32>,
        %get3A_843 = vector.shape_cast %get3A_842 : vector<1x16xf32> to vector<16xf32>
        %mul3A_844 = arith.mulf %get3A_843, %get3A_310 : vector<16xf32>
        %add3A_845 = arith.addf %add3A_834, %mul3A_844 : vector<16xf32>
        %mul3A_846 = arith.mulf %get3A_843, %get3A_394 : vector<16xf32>
        %add3A_847 = arith.addf %add3A_836, %mul3A_846 : vector<16xf32>
        %mul3A_848 = arith.constant 16 : i32
        %mul3A_849 = arith.muli %mul3A_848, %scan3A_8 : i32
        %get3A_850 = arith.constant 33 : i32
        %get3A_851 = arith.index_cast %get3A_850 : i32 to index
        %get3A_852 = arith.index_cast %mul3A_849 : i32 to index
        %get3A_853 = tpu.vector_load %arg5[%get3A_851, %get3A_852] {strides = array<i32>} : memref<42x256xf32, #tpu.memory_space<vmem>>, vector<1x16xf32>,
        %get3A_854 = vector.shape_cast %get3A_853 : vector<1x16xf32> to vector<16xf32>
        %mul3A_855 = arith.mulf %get3A_854, %get3A_316 : vector<16xf32>
        %add3A_856 = arith.addf %add3A_845, %mul3A_855 : vector<16xf32>
        %mul3A_857 = arith.mulf %get3A_854, %get3A_400 : vector<16xf32>
        %add3A_858 = arith.addf %add3A_847, %mul3A_857 : vector<16xf32>
        %mul3A_859 = arith.constant 16 : i32
        %mul3A_860 = arith.muli %mul3A_859, %scan3A_8 : i32
        %get3A_861 = arith.constant 34 : i32
        %get3A_862 = arith.index_cast %get3A_861 : i32 to index
        %get3A_863 = arith.index_cast %mul3A_860 : i32 to index
        %get3A_864 = tpu.vector_load %arg5[%get3A_862, %get3A_863] {strides = array<i32>} : memref<42x256xf32, #tpu.memory_space<vmem>>, vector<1x16xf32>,
        %get3A_865 = vector.shape_cast %get3A_864 : vector<1x16xf32> to vector<16xf32>
        %mul3A_866 = arith.mulf %get3A_865, %get3A_322 : vector<16xf32>
        %add3A_867 = arith.addf %add3A_856, %mul3A_866 : vector<16xf32>
        %mul3A_868 = arith.mulf %get3A_865, %get3A_406 : vector<16xf32>
        %add3A_869 = arith.addf %add3A_858, %mul3A_868 : vector<16xf32>
        %mul3A_870 = arith.constant 16 : i32
        %mul3A_871 = arith.muli %mul3A_870, %scan3A_8 : i32
        %get3A_872 = arith.constant 35 : i32
        %get3A_873 = arith.index_cast %get3A_872 : i32 to index
        %get3A_874 = arith.index_cast %mul3A_871 : i32 to index
        %get3A_875 = tpu.vector_load %arg5[%get3A_873, %get3A_874] {strides = array<i32>} : memref<42x256xf32, #tpu.memory_space<vmem>>, vector<1x16xf32>,
        %get3A_876 = vector.shape_cast %get3A_875 : vector<1x16xf32> to vector<16xf32>
        %mul3A_877 = arith.mulf %get3A_876, %get3A_328 : vector<16xf32>
        %add3A_878 = arith.addf %add3A_867, %mul3A_877 : vector<16xf32>
        %mul3A_879 = arith.mulf %get3A_876, %get3A_412 : vector<16xf32>
        %add3A_880 = arith.addf %add3A_869, %mul3A_879 : vector<16xf32>
        %mul3A_881 = arith.constant 16 : i32
        %mul3A_882 = arith.muli %mul3A_881, %scan3A_8 : i32
        %get3A_883 = arith.constant 36 : i32
        %get3A_884 = arith.index_cast %get3A_883 : i32 to index
        %get3A_885 = arith.index_cast %mul3A_882 : i32 to index
        %get3A_886 = tpu.vector_load %arg5[%get3A_884, %get3A_885] {strides = array<i32>} : memref<42x256xf32, #tpu.memory_space<vmem>>, vector<1x16xf32>,
        %get3A_887 = vector.shape_cast %get3A_886 : vector<1x16xf32> to vector<16xf32>
        %mul3A_888 = arith.mulf %get3A_887, %get3A_334 : vector<16xf32>
        %add3A_889 = arith.addf %add3A_878, %mul3A_888 : vector<16xf32>
        %mul3A_890 = arith.mulf %get3A_887, %get3A_418 : vector<16xf32>
        %add3A_891 = arith.addf %add3A_880, %mul3A_890 : vector<16xf32>
        %mul3A_892 = arith.constant 16 : i32
        %mul3A_893 = arith.muli %mul3A_892, %scan3A_8 : i32
        %get3A_894 = arith.constant 37 : i32
        %get3A_895 = arith.index_cast %get3A_894 : i32 to index
        %get3A_896 = arith.index_cast %mul3A_893 : i32 to index
        %get3A_897 = tpu.vector_load %arg5[%get3A_895, %get3A_896] {strides = array<i32>} : memref<42x256xf32, #tpu.memory_space<vmem>>, vector<1x16xf32>,
        %get3A_898 = vector.shape_cast %get3A_897 : vector<1x16xf32> to vector<16xf32>
        %mul3A_899 = arith.mulf %get3A_898, %get3A_340 : vector<16xf32>
        %add3A_900 = arith.addf %add3A_889, %mul3A_899 : vector<16xf32>
        %mul3A_901 = arith.mulf %get3A_898, %get3A_424 : vector<16xf32>
        %add3A_902 = arith.addf %add3A_891, %mul3A_901 : vector<16xf32>
        %mul3A_903 = arith.constant 16 : i32
        %mul3A_904 = arith.muli %mul3A_903, %scan3A_8 : i32
        %get3A_905 = arith.constant 38 : i32
        %get3A_906 = arith.index_cast %get3A_905 : i32 to index
        %get3A_907 = arith.index_cast %mul3A_904 : i32 to index
        %get3A_908 = tpu.vector_load %arg5[%get3A_906, %get3A_907] {strides = array<i32>} : memref<42x256xf32, #tpu.memory_space<vmem>>, vector<1x16xf32>,
        %get3A_909 = vector.shape_cast %get3A_908 : vector<1x16xf32> to vector<16xf32>
        %mul3A_910 = arith.mulf %get3A_909, %get3A_346 : vector<16xf32>
        %add3A_911 = arith.addf %add3A_900, %mul3A_910 : vector<16xf32>
        %mul3A_912 = arith.mulf %get3A_909, %get3A_430 : vector<16xf32>
        %add3A_913 = arith.addf %add3A_902, %mul3A_912 : vector<16xf32>
        %mul3A_914 = arith.constant 16 : i32
        %mul3A_915 = arith.muli %mul3A_914, %scan3A_8 : i32
        %get3A_916 = arith.constant 39 : i32
        %get3A_917 = arith.index_cast %get3A_916 : i32 to index
        %get3A_918 = arith.index_cast %mul3A_915 : i32 to index
        %get3A_919 = tpu.vector_load %arg5[%get3A_917, %get3A_918] {strides = array<i32>} : memref<42x256xf32, #tpu.memory_space<vmem>>, vector<1x16xf32>,
        %get3A_920 = vector.shape_cast %get3A_919 : vector<1x16xf32> to vector<16xf32>
        %mul3A_921 = arith.mulf %get3A_920, %get3A_352 : vector<16xf32>
        %add3A_922 = arith.addf %add3A_911, %mul3A_921 : vector<16xf32>
        %mul3A_923 = arith.mulf %get3A_920, %get3A_436 : vector<16xf32>
        %add3A_924 = arith.addf %add3A_913, %mul3A_923 : vector<16xf32>
        %mul3A_925 = arith.constant 16 : i32
        %mul3A_926 = arith.muli %mul3A_925, %scan3A_8 : i32
        %get3A_927 = arith.constant 40 : i32
        %get3A_928 = arith.index_cast %get3A_927 : i32 to index
        %get3A_929 = arith.index_cast %mul3A_926 : i32 to index
        %get3A_930 = tpu.vector_load %arg5[%get3A_928, %get3A_929] {strides = array<i32>} : memref<42x256xf32, #tpu.memory_space<vmem>>, vector<1x16xf32>,
        %get3A_931 = vector.shape_cast %get3A_930 : vector<1x16xf32> to vector<16xf32>
        %mul3A_932 = arith.mulf %get3A_931, %get3A_358 : vector<16xf32>
        %add3A_933 = arith.addf %add3A_922, %mul3A_932 : vector<16xf32>
        %mul3A_934 = arith.mulf %get3A_931, %get3A_442 : vector<16xf32>
        %add3A_935 = arith.addf %add3A_924, %mul3A_934 : vector<16xf32>
        %mul3A_936 = arith.constant 16 : i32
        %mul3A_937 = arith.muli %mul3A_936, %scan3A_8 : i32
        %get3A_938 = arith.constant 41 : i32
        %get3A_939 = arith.index_cast %get3A_938 : i32 to index
        %get3A_940 = arith.index_cast %mul3A_937 : i32 to index
        %get3A_941 = tpu.vector_load %arg5[%get3A_939, %get3A_940] {strides = array<i32>} : memref<42x256xf32, #tpu.memory_space<vmem>>, vector<1x16xf32>,
        %get3A_942 = vector.shape_cast %get3A_941 : vector<1x16xf32> to vector<16xf32>
        %mul3A_943 = arith.mulf %get3A_942, %get3A_364 : vector<16xf32>
        %add3A_944 = arith.addf %add3A_933, %mul3A_943 : vector<16xf32>
        %mul3A_945 = arith.mulf %get3A_942, %get3A_448 : vector<16xf32>
        %add3A_946 = arith.addf %add3A_935, %mul3A_945 : vector<16xf32>
        %mul3A_947 = arith.mulf %sub3A, %get3A_454 : vector<16xf32>
        %mul3A_948 = arith.mulf %sub3A_36, %get3A_460 : vector<16xf32>
        %add3A_949 = arith.addf %mul3A_947, %mul3A_948 : vector<16xf32>
        %mul3A_950 = arith.mulf %mul3A_73, %get3A_466 : vector<16xf32>
        %add3A_951 = arith.addf %mul3A_950, %add3A_949 : vector<16xf32>
        %sub3A_952 = arith.subf %mul3A_950, %add3A_949 : vector<16xf32>
        %mul3A_953 = arith.mulf %sub3A_88, %get3A_454 : vector<16xf32>
        %mul3A_954 = arith.mulf %sub3A_103, %get3A_460 : vector<16xf32>
        %add3A_955 = arith.addf %mul3A_953, %mul3A_954 : vector<16xf32>
        %mul3A_956 = arith.mulf %mul3A_142, %get3A_466 : vector<16xf32>
        %add3A_957 = arith.addf %mul3A_956, %add3A_955 : vector<16xf32>
        %sub3A_958 = arith.subf %mul3A_956, %add3A_955 : vector<16xf32>
        %mul3A_959 = arith.mulf %sub3A_157, %get3A_454 : vector<16xf32>
        %mul3A_960 = arith.mulf %sub3A_172, %get3A_460 : vector<16xf32>
        %add3A_961 = arith.addf %mul3A_959, %mul3A_960 : vector<16xf32>
        %mul3A_962 = arith.mulf %mul3A_211, %get3A_466 : vector<16xf32>
        %add3A_963 = arith.addf %mul3A_962, %add3A_961 : vector<16xf32>
        %sub3A_964 = arith.subf %mul3A_962, %add3A_961 : vector<16xf32>
        %add3A_965 = arith.addf %add3A_636, %add3A_792 : vector<16xf32>
        %add3A_966 = arith.addf %add3A_965, %add3A_951 : vector<16xf32>
        %gt3A = arith.constant 0.000000e+00 : f32
        %gt3A_967 = vector.broadcast %gt3A : f32 to vector<16xf32>
        %gt3A_968 = arith.cmpf ogt, %add3A_966, %gt3A_967 : vector<16xf32>
        %mul3A_969 = arith.constant 2.000000e-01 : f32
        %mul3A_970 = vector.broadcast %mul3A_969 : f32 to vector<16xf32>
        %mul3A_971 = arith.mulf %mul3A_970, %add3A_966 : vector<16xf32>
        %select_n3A = arith.select %gt3A_968, %add3A_966, %mul3A_971 : vector<16xi1>, vector<16xf32>
        %mul3A_972 = arith.mulf %select_n3A, %get3A_472 : vector<16xf32>
        %add3A_973 = arith.addf %scan3A_275, %mul3A_972 : vector<16xf32>
        %add3A_974 = arith.addf %add3A_636, %add3A_946 : vector<16xf32>
        %add3A_975 = arith.addf %add3A_974, %add3A_957 : vector<16xf32>
        %gt3A_976 = arith.constant 0.000000e+00 : f32
        %gt3A_977 = vector.broadcast %gt3A_976 : f32 to vector<16xf32>
        %gt3A_978 = arith.cmpf ogt, %add3A_975, %gt3A_977 : vector<16xf32>
        %mul3A_979 = arith.constant 2.000000e-01 : f32
        %mul3A_980 = vector.broadcast %mul3A_979 : f32 to vector<16xf32>
        %mul3A_981 = arith.mulf %mul3A_980, %add3A_975 : vector<16xf32>
        %select_n3A_982 = arith.select %gt3A_978, %add3A_975, %mul3A_981 : vector<16xi1>, vector<16xf32>
        %mul3A_983 = arith.mulf %select_n3A_982, %get3A_472 : vector<16xf32>
        %add3A_984 = arith.addf %scan3A_276, %mul3A_983 : vector<16xf32>
        %add3A_985 = arith.addf %add3A_790, %add3A_638 : vector<16xf32>
        %add3A_986 = arith.addf %add3A_985, %sub3A_952 : vector<16xf32>
        %gt3A_987 = arith.constant 0.000000e+00 : f32
        %gt3A_988 = vector.broadcast %gt3A_987 : f32 to vector<16xf32>
        %gt3A_989 = arith.cmpf ogt, %add3A_986, %gt3A_988 : vector<16xf32>
        %mul3A_990 = arith.constant 2.000000e-01 : f32
        %mul3A_991 = vector.broadcast %mul3A_990 : f32 to vector<16xf32>
        %mul3A_992 = arith.mulf %mul3A_991, %add3A_986 : vector<16xf32>
        %select_n3A_993 = arith.select %gt3A_989, %add3A_986, %mul3A_992 : vector<16xi1>, vector<16xf32>
        %mul3A_994 = arith.mulf %select_n3A_993, %get3A_472 : vector<16xf32>
        %add3A_995 = arith.addf %scan3A_277, %mul3A_994 : vector<16xf32>
        %add3A_996 = arith.addf %add3A_790, %add3A_946 : vector<16xf32>
        %add3A_997 = arith.addf %add3A_996, %add3A_963 : vector<16xf32>
        %gt3A_998 = arith.constant 0.000000e+00 : f32
        %gt3A_999 = vector.broadcast %gt3A_998 : f32 to vector<16xf32>
        %gt3A_1000 = arith.cmpf ogt, %add3A_997, %gt3A_999 : vector<16xf32>
        %mul3A_1001 = arith.constant 2.000000e-01 : f32
        %mul3A_1002 = vector.broadcast %mul3A_1001 : f32 to vector<16xf32>
        %mul3A_1003 = arith.mulf %mul3A_1002, %add3A_997 : vector<16xf32>
        %select_n3A_1004 = arith.select %gt3A_1000, %add3A_997, %mul3A_1003 : vector<16xi1>, vector<16xf32>
        %mul3A_1005 = arith.mulf %select_n3A_1004, %get3A_472 : vector<16xf32>
        %add3A_1006 = arith.addf %scan3A_278, %mul3A_1005 : vector<16xf32>
        %add3A_1007 = arith.addf %add3A_944, %add3A_638 : vector<16xf32>
        %add3A_1008 = arith.addf %add3A_1007, %sub3A_958 : vector<16xf32>
        %gt3A_1009 = arith.constant 0.000000e+00 : f32
        %gt3A_1010 = vector.broadcast %gt3A_1009 : f32 to vector<16xf32>
        %gt3A_1011 = arith.cmpf ogt, %add3A_1008, %gt3A_1010 : vector<16xf32>
        %mul3A_1012 = arith.constant 2.000000e-01 : f32
        %mul3A_1013 = vector.broadcast %mul3A_1012 : f32 to vector<16xf32>
        %mul3A_1014 = arith.mulf %mul3A_1013, %add3A_1008 : vector<16xf32>
        %select_n3A_1015 = arith.select %gt3A_1011, %add3A_1008, %mul3A_1014 : vector<16xi1>, vector<16xf32>
        %mul3A_1016 = arith.mulf %select_n3A_1015, %get3A_472 : vector<16xf32>
        %add3A_1017 = arith.addf %scan3A_279, %mul3A_1016 : vector<16xf32>
        %add3A_1018 = arith.addf %add3A_944, %add3A_792 : vector<16xf32>
        %add3A_1019 = arith.addf %add3A_1018, %sub3A_964 : vector<16xf32>
        %gt3A_1020 = arith.constant 0.000000e+00 : f32
        %gt3A_1021 = vector.broadcast %gt3A_1020 : f32 to vector<16xf32>
        %gt3A_1022 = arith.cmpf ogt, %add3A_1019, %gt3A_1021 : vector<16xf32>
        %mul3A_1023 = arith.constant 2.000000e-01 : f32
        %mul3A_1024 = vector.broadcast %mul3A_1023 : f32 to vector<16xf32>
        %mul3A_1025 = arith.mulf %mul3A_1024, %add3A_1019 : vector<16xf32>
        %select_n3A_1026 = arith.select %gt3A_1022, %add3A_1019, %mul3A_1025 : vector<16xi1>, vector<16xf32>
        %mul3A_1027 = arith.mulf %select_n3A_1026, %get3A_472 : vector<16xf32>
        %add3A_1028 = arith.addf %scan3A_280, %mul3A_1027 : vector<16xf32>
        %swap3A = arith.constant 0 : i32
        %swap3A_1029 = arith.index_cast %swap3A : i32 to index
        %swap3A_1030 = arith.index_cast %scan3A_274 : i32 to index
        %swap3A_1031 = arith.constant 0 : index
        %swap3A_1032 = tpu.vector_load %arg7[%swap3A_1029, %swap3A_1030, %swap3A_1031] {strides = array<i32>} : memref<3x16x16xf32, #tpu.memory_space<vmem>>, vector<1x1x16xf32>,
        %swap3A_1033 = vector.shape_cast %swap3A_1032 : vector<1x1x16xf32> to vector<16xf32>
        %swap3A_1034 = vector.shape_cast %add3A_636 : vector<16xf32> to vector<1x1x16xf32>
        tpu.vector_store %arg7[%swap3A_1029, %swap3A_1030, %swap3A_1031], %swap3A_1034 {strides = array<i32>} : memref<3x16x16xf32, #tpu.memory_space<vmem>>, vector<1x1x16xf32>,
        %swap3A_1035 = arith.constant 1 : i32
        %swap3A_1036 = arith.index_cast %swap3A_1035 : i32 to index
        %swap3A_1037 = arith.index_cast %scan3A_274 : i32 to index
        %swap3A_1038 = arith.constant 0 : index
        %swap3A_1039 = tpu.vector_load %arg7[%swap3A_1036, %swap3A_1037, %swap3A_1038] {strides = array<i32>} : memref<3x16x16xf32, #tpu.memory_space<vmem>>, vector<1x1x16xf32>,
        %swap3A_1040 = vector.shape_cast %swap3A_1039 : vector<1x1x16xf32> to vector<16xf32>
        %swap3A_1041 = vector.shape_cast %add3A_790 : vector<16xf32> to vector<1x1x16xf32>
        tpu.vector_store %arg7[%swap3A_1036, %swap3A_1037, %swap3A_1038], %swap3A_1041 {strides = array<i32>} : memref<3x16x16xf32, #tpu.memory_space<vmem>>, vector<1x1x16xf32>,
        %swap3A_1042 = arith.constant 2 : i32
        %swap3A_1043 = arith.index_cast %swap3A_1042 : i32 to index
        %swap3A_1044 = arith.index_cast %scan3A_274 : i32 to index
        %swap3A_1045 = arith.constant 0 : index
        %swap3A_1046 = tpu.vector_load %arg7[%swap3A_1043, %swap3A_1044, %swap3A_1045] {strides = array<i32>} : memref<3x16x16xf32, #tpu.memory_space<vmem>>, vector<1x1x16xf32>,
        %swap3A_1047 = vector.shape_cast %swap3A_1046 : vector<1x1x16xf32> to vector<16xf32>
        %swap3A_1048 = vector.shape_cast %add3A_944 : vector<16xf32> to vector<1x1x16xf32>
        tpu.vector_store %arg7[%swap3A_1043, %swap3A_1044, %swap3A_1045], %swap3A_1048 {strides = array<i32>} : memref<3x16x16xf32, #tpu.memory_space<vmem>>, vector<1x1x16xf32>,
        scf.yield %add3A_973, %add3A_984, %add3A_995, %add3A_1006, %add3A_1017, %add3A_1028 : vector<16xf32>, vector<16xf32>, vector<16xf32>, vector<16xf32>, vector<16xf32>, vector<16xf32>
      }
      %scan3A_228 = arith.constant 16 : i32
      %max3A = arith.maximumf %scan3A_227#2, %scan3A_227#4 : vector<16xf32>
      %sub3A_229 = arith.subf %scan3A_227#2, %max3A : vector<16xf32>
      %exp3A = math.exp %sub3A_229 : vector<16xf32>
      %sub3A_230 = arith.subf %scan3A_227#4, %max3A : vector<16xf32>
      %exp3A_231 = math.exp %sub3A_230 : vector<16xf32>
      %add3A_232 = arith.addf %exp3A, %exp3A_231 : vector<16xf32>
      %add3A_233 = arith.constant 1.000000e-16 : f32
      %add3A_234 = vector.broadcast %add3A_233 : f32 to vector<16xf32>
      %add3A_235 = arith.addf %add3A_232, %add3A_234 : vector<16xf32>
      %div3A = arith.constant 1.000000e+00 : f32
      %div3A_236 = vector.broadcast %div3A : f32 to vector<16xf32>
      %div3A_237 = arith.divf %div3A_236, %add3A_235 : vector<16xf32>
      %mul3A_238 = arith.mulf %exp3A, %div3A_237 : vector<16xf32>
      %mul3A_239 = arith.mulf %exp3A_231, %div3A_237 : vector<16xf32>
      %max3A_240 = arith.maximumf %scan3A_227#0, %scan3A_227#5 : vector<16xf32>
      %sub3A_241 = arith.subf %scan3A_227#0, %max3A_240 : vector<16xf32>
      %exp3A_242 = math.exp %sub3A_241 : vector<16xf32>
      %sub3A_243 = arith.subf %scan3A_227#5, %max3A_240 : vector<16xf32>
      %exp3A_244 = math.exp %sub3A_243 : vector<16xf32>
      %add3A_245 = arith.addf %exp3A_242, %exp3A_244 : vector<16xf32>
      %add3A_246 = arith.constant 1.000000e-16 : f32
      %add3A_247 = vector.broadcast %add3A_246 : f32 to vector<16xf32>
      %add3A_248 = arith.addf %add3A_245, %add3A_247 : vector<16xf32>
      %div3A_249 = arith.constant 1.000000e+00 : f32
      %div3A_250 = vector.broadcast %div3A_249 : f32 to vector<16xf32>
      %div3A_251 = arith.divf %div3A_250, %add3A_248 : vector<16xf32>
      %mul3A_252 = arith.mulf %exp3A_242, %div3A_251 : vector<16xf32>
      %mul3A_253 = arith.mulf %exp3A_244, %div3A_251 : vector<16xf32>
      %max3A_254 = arith.maximumf %scan3A_227#1, %scan3A_227#3 : vector<16xf32>
      %sub3A_255 = arith.subf %scan3A_227#1, %max3A_254 : vector<16xf32>
      %exp3A_256 = math.exp %sub3A_255 : vector<16xf32>
      %sub3A_257 = arith.subf %scan3A_227#3, %max3A_254 : vector<16xf32>
      %exp3A_258 = math.exp %sub3A_257 : vector<16xf32>
      %add3A_259 = arith.addf %exp3A_256, %exp3A_258 : vector<16xf32>
      %add3A_260 = arith.constant 1.000000e-16 : f32
      %add3A_261 = vector.broadcast %add3A_260 : f32 to vector<16xf32>
      %add3A_262 = arith.addf %add3A_259, %add3A_261 : vector<16xf32>
      %div3A_263 = arith.constant 1.000000e+00 : f32
      %div3A_264 = vector.broadcast %div3A_263 : f32 to vector<16xf32>
      %div3A_265 = arith.divf %div3A_264, %add3A_262 : vector<16xf32>
      %mul3A_266 = arith.mulf %exp3A_256, %div3A_265 : vector<16xf32>
      %mul3A_267 = arith.mulf %exp3A_258, %div3A_265 : vector<16xf32>
      %scan3A_268 = arith.constant 0 : i32
      %scan3A_269 = arith.constant 0 : i32
      %scan3A_270 = arith.constant 16 : i32
      %scan3A_271 = arith.addi %scan3A_269, %scan3A_270 : i32
      %scan3A_272 = arith.constant 1 : i32
      scf.for %scan3A_274 = %scan3A_269 to %scan3A_271 step %scan3A_272  : i32 {
        %add3A_275 = arith.constant 544 : i32
        %add3A_276 = arith.addi %add3A_275, %scan3A_274 : i32
        %get3A_277 = arith.index_cast %add3A_276 : i32 to index
        %get3A_278 = arith.constant 0 : index
        %get3A_279 = tpu.vector_load %arg6[%get3A_277, %get3A_278] {strides = array<i32>} : memref<560x16xf32, #tpu.memory_space<vmem>>, vector<1x16xf32>,
        %get3A_280 = vector.shape_cast %get3A_279 : vector<1x16xf32> to vector<16xf32>
        %get3A_281 = arith.constant 0 : i32
        %get3A_282 = arith.index_cast %get3A_281 : i32 to index
        %get3A_283 = arith.index_cast %scan3A_274 : i32 to index
        %get3A_284 = arith.constant 0 : index
        %get3A_285 = tpu.vector_load %arg7[%get3A_282, %get3A_283, %get3A_284] {strides = array<i32>} : memref<3x16x16xf32, #tpu.memory_space<vmem>>, vector<1x1x16xf32>,
        %get3A_286 = vector.shape_cast %get3A_285 : vector<1x1x16xf32> to vector<16xf32>
        %get3A_287 = arith.constant 1 : i32
        %get3A_288 = arith.index_cast %get3A_287 : i32 to index
        %get3A_289 = arith.index_cast %scan3A_274 : i32 to index
        %get3A_290 = arith.constant 0 : index
        %get3A_291 = tpu.vector_load %arg7[%get3A_288, %get3A_289, %get3A_290] {strides = array<i32>} : memref<3x16x16xf32, #tpu.memory_space<vmem>>, vector<1x1x16xf32>,
        %get3A_292 = vector.shape_cast %get3A_291 : vector<1x1x16xf32> to vector<16xf32>
        %get3A_293 = arith.constant 2 : i32
        %get3A_294 = arith.index_cast %get3A_293 : i32 to index
        %get3A_295 = arith.index_cast %scan3A_274 : i32 to index
        %get3A_296 = arith.constant 0 : index
        %get3A_297 = tpu.vector_load %arg7[%get3A_294, %get3A_295, %get3A_296] {strides = array<i32>} : memref<3x16x16xf32, #tpu.memory_space<vmem>>, vector<1x1x16xf32>,
        %get3A_298 = vector.shape_cast %get3A_297 : vector<1x1x16xf32> to vector<16xf32>
        %broadcast_in_dim3A_299 = arith.constant 0.000000e+00 : f32
        %broadcast_in_dim3A_300 = vector.broadcast %broadcast_in_dim3A_299 : f32 to vector<16xf32>
        %mul3A_301 = arith.mulf %mul3A_238, %get3A_292 : vector<16xf32>
        %mul3A_302 = arith.mulf %mul3A_239, %get3A_298 : vector<16xf32>
        %add3A_303 = arith.addf %mul3A_301, %mul3A_302 : vector<16xf32>
        %add3A_304 = arith.addf %add3A_303, %get3A_280 : vector<16xf32>
        %max3A_305 = arith.constant 0.000000e+00 : f32
        %max3A_306 = vector.broadcast %max3A_305 : f32 to vector<16xf32>
        %max3A_307 = arith.maximumf %add3A_304, %max3A_306 : vector<16xf32>
        %add3A_308 = arith.addf %broadcast_in_dim3A_300, %max3A_307 : vector<16xf32>
        %mul3A_309 = arith.mulf %mul3A_252, %get3A_286 : vector<16xf32>
        %mul3A_310 = arith.mulf %mul3A_253, %get3A_298 : vector<16xf32>
        %add3A_311 = arith.addf %mul3A_309, %mul3A_310 : vector<16xf32>
        %add3A_312 = arith.addf %add3A_311, %get3A_280 : vector<16xf32>
        %max3A_313 = arith.constant 0.000000e+00 : f32
        %max3A_314 = vector.broadcast %max3A_313 : f32 to vector<16xf32>
        %max3A_315 = arith.maximumf %add3A_312, %max3A_314 : vector<16xf32>
        %add3A_316 = arith.addf %add3A_308, %max3A_315 : vector<16xf32>
        %mul3A_317 = arith.mulf %mul3A_266, %get3A_286 : vector<16xf32>
        %mul3A_318 = arith.mulf %mul3A_267, %get3A_292 : vector<16xf32>
        %add3A_319 = arith.addf %mul3A_317, %mul3A_318 : vector<16xf32>
        %add3A_320 = arith.addf %add3A_319, %get3A_280 : vector<16xf32>
        %max3A_321 = arith.constant 0.000000e+00 : f32
        %max3A_322 = vector.broadcast %max3A_321 : f32 to vector<16xf32>
        %max3A_323 = arith.maximumf %add3A_320, %max3A_322 : vector<16xf32>
        %add3A_324 = arith.addf %add3A_316, %max3A_323 : vector<16xf32>
        %mul3A_325 = arith.constant 16 : i32
        %mul3A_326 = arith.muli %mul3A_325, %scan3A_8 : i32
        %swap3A = arith.index_cast %scan3A_274 : i32 to index
        %swap3A_327 = arith.index_cast %mul3A_326 : i32 to index
        %swap3A_328 = tpu.vector_load %arg8[%swap3A, %swap3A_327] {strides = array<i32>} : memref<16x256xf32, #tpu.memory_space<vmem>>, vector<1x16xf32>,
        %swap3A_329 = vector.shape_cast %swap3A_328 : vector<1x16xf32> to vector<16xf32>
        %swap3A_330 = vector.shape_cast %add3A_324 : vector<16xf32> to vector<1x16xf32>
        tpu.vector_store %arg8[%swap3A, %swap3A_327], %swap3A_330 {strides = array<i32>} : memref<16x256xf32, #tpu.memory_space<vmem>>, vector<1x16xf32>,
      }
      %scan3A_273 = arith.constant 16 : i32
    }
    %scan3A_7 = arith.constant 16 : i32
    "tpu.region"() ({
      %run_scoped3A = tpu.sem_alloc : memref<!tpu.dma_semaphore, #tpu.memory_space<semaphore_mem>>
      %dma_start3A = arith.constant 0 : i32
      %dma_start3A_8 = tpu.memref_slice %arg4[%dma_start3A, %mul3A_2] : memref<16x8192xf32, #tpu.memory_space<hbm>> -> memref<16x256xf32, #tpu.memory_space<hbm>>
      %dma_start3A_9 = arith.constant 0 : i32
      %dma_start3A_10 = tpu.memref_slice %arg4[%dma_start3A_9, %mul3A_2] : memref<16x8192xf32, #tpu.memory_space<hbm>> -> memref<16x256xf32, #tpu.memory_space<hbm>>
      tpu.enqueue_dma source(%arg8 : memref<16x256xf32, #tpu.memory_space<vmem>>) target(%dma_start3A_10 : memref<16x256xf32, #tpu.memory_space<hbm>>) target_semaphore(%run_scoped3A : memref<!tpu.dma_semaphore, #tpu.memory_space<semaphore_mem>>)
      %dma_wait3A = arith.constant 0 : i32
      %dma_wait3A_11 = tpu.memref_slice %arg4[%dma_wait3A, %mul3A_2] : memref<16x8192xf32, #tpu.memory_space<hbm>> -> memref<16x256xf32, #tpu.memory_space<hbm>>
      %dma_wait3A_12 = arith.constant 0 : i32
      %dma_wait3A_13 = tpu.memref_slice %arg4[%dma_wait3A_12, %mul3A_2] : memref<16x8192xf32, #tpu.memory_space<hbm>> -> memref<16x256xf32, #tpu.memory_space<hbm>>
      tpu.wait_dma2 semaphore(%run_scoped3A : memref<!tpu.dma_semaphore, #tpu.memory_space<semaphore_mem>>) src(%arg8 : memref<16x256xf32, #tpu.memory_space<vmem>>) dst(%dma_wait3A_13 : memref<16x256xf32, #tpu.memory_space<hbm>>)
      tpu.yield
    }) : () -> ()
    return
  }
}

module attributes {stable_mosaic.version = 14 : i64} {
  func.func @_tc_gat_body(%arg0: i32, %arg1: memref<42x512xf32, #tpu.memory_space<vmem>>, %arg2: memref<6x512xf32, #tpu.memory_space<vmem>>, %arg3: memref<32x14xf32, #tpu.memory_space<vmem>>, %arg4: memref<16x3xf32, #tpu.memory_space<vmem>>, %arg5: memref<16x1xf32, #tpu.memory_space<vmem>>, %arg6: memref<32x1xf32, #tpu.memory_space<vmem>>, %arg7: memref<16x1xf32, #tpu.memory_space<vmem>>, %arg8: memref<128x32xf32, #tpu.memory_space<vmem>>, %arg9: memref<128x1xf32, #tpu.memory_space<vmem>>, %arg10: memref<32x128xf32, #tpu.memory_space<vmem>>, %arg11: memref<32x1xf32, #tpu.memory_space<vmem>>, %arg12: memref<32x512xf32, #tpu.memory_space<vmem>>) attributes {dimension_semantics = [#tpu.dimension_semantics<arbitrary>], iteration_bounds = array<i64: 16>, scalar_prefetch = 0 : i64, scratch_operands = 0 : i64, tpu.core_type = #tpu.core_type<tc>, window_params = [{transform_indices = @transform_0, window_bounds = array<i64: 42, 512>}, {transform_indices = @transform_1, window_bounds = array<i64: 6, 512>}, {pipeline_mode = #tpu.pipeline_mode<synchronous>, transform_indices = @transform_2, window_bounds = array<i64: 32, 14>}, {pipeline_mode = #tpu.pipeline_mode<synchronous>, transform_indices = @transform_3, window_bounds = array<i64: 16, 3>}, {pipeline_mode = #tpu.pipeline_mode<synchronous>, transform_indices = @transform_4, window_bounds = array<i64: 16, 1>}, {pipeline_mode = #tpu.pipeline_mode<synchronous>, transform_indices = @transform_5, window_bounds = array<i64: 32, 1>}, {pipeline_mode = #tpu.pipeline_mode<synchronous>, transform_indices = @transform_6, window_bounds = array<i64: 16, 1>}, {pipeline_mode = #tpu.pipeline_mode<synchronous>, transform_indices = @transform_7, window_bounds = array<i64: 128, 32>}, {pipeline_mode = #tpu.pipeline_mode<synchronous>, transform_indices = @transform_8, window_bounds = array<i64: 128, 1>}, {pipeline_mode = #tpu.pipeline_mode<synchronous>, transform_indices = @transform_9, window_bounds = array<i64: 32, 128>}, {pipeline_mode = #tpu.pipeline_mode<synchronous>, transform_indices = @transform_10, window_bounds = array<i64: 32, 1>}, {transform_indices = @transform_11, window_bounds = array<i64: 32, 512>}]} {
    %get3A = arith.constant 0 : index
    %get3A_0 = arith.constant 0 : index
    %get3A_1 = vector.load %arg1[%get3A, %get3A_0] : memref<42x512xf32, #tpu.memory_space<vmem>>, vector<42x512xf32>
    %get3A_2 = arith.constant 0 : index
    %get3A_3 = arith.constant 0 : index
    %get3A_4 = vector.load %arg3[%get3A_2, %get3A_3] : memref<32x14xf32, #tpu.memory_space<vmem>>, vector<32x14xf32>
    %get3A_5 = arith.constant 0 : index
    %get3A_6 = arith.constant 0 : index
    %get3A_7 = vector.load %arg6[%get3A_5, %get3A_6] : memref<32x1xf32, #tpu.memory_space<vmem>>, vector<32x1xf32>
    %get3A_8 = arith.constant 0 : index
    %get3A_9 = arith.constant 0 : index
    %get3A_10 = vector.load %arg7[%get3A_8, %get3A_9] : memref<16x1xf32, #tpu.memory_space<vmem>>, vector<16x1xf32>
    %get3A_11 = arith.constant 0 : index
    %get3A_12 = arith.constant 0 : index
    %get3A_13 = vector.load %arg5[%get3A_11, %get3A_12] : memref<16x1xf32, #tpu.memory_space<vmem>>, vector<16x1xf32>
    %get3A_14 = arith.constant 0 : index
    %get3A_15 = arith.constant 0 : index
    %get3A_16 = vector.load %arg4[%get3A_14, %get3A_15] : memref<16x3xf32, #tpu.memory_space<vmem>>, vector<16x3xf32>
    %slice3A = vector.extract_strided_slice %get3A_1 {offsets = [0, 0], sizes = [14, 512], strides = [1, 1]} : vector<42x512xf32> to vector<14x512xf32>
    %dot_general3A = arith.constant dense<0.000000e+00> : vector<32x512xf32>
    %dot_general3A_17 = tpu.matmul %get3A_4, %slice3A, %dot_general3A {dimension_numbers = #tpu.dot_dimension_numbers<[1], [0], [0], [1], [0, 0, 1, 1], [], []>, transpose_lhs_hint = false} : vector<32x14xf32>, vector<14x512xf32>, vector<32x512xf32> -> vector<32x512xf32>
    %add3A = vector.broadcast %get3A_7 : vector<32x1xf32> to vector<32x512xf32>
    %add3A_18 = arith.addf %dot_general3A_17, %add3A : vector<32x512xf32>
    %slice3A_19 = vector.extract_strided_slice %add3A_18 {offsets = [0, 0], sizes = [16, 512], strides = [1, 1]} : vector<32x512xf32> to vector<16x512xf32>
    %slice3A_20 = vector.extract_strided_slice %add3A_18 {offsets = [16, 0], sizes = [16, 512], strides = [1, 1]} : vector<32x512xf32> to vector<16x512xf32>
    %slice3A_21 = vector.extract_strided_slice %slice3A {offsets = [0, 0], sizes = [2, 512], strides = [1, 1]} : vector<14x512xf32> to vector<2x512xf32>
    %slice3A_22 = vector.extract_strided_slice %get3A_1 {offsets = [14, 0], sizes = [14, 512], strides = [1, 1]} : vector<42x512xf32> to vector<14x512xf32>
    %dot_general3A_23 = arith.constant dense<0.000000e+00> : vector<32x512xf32>
    %dot_general3A_24 = tpu.matmul %get3A_4, %slice3A_22, %dot_general3A_23 {dimension_numbers = #tpu.dot_dimension_numbers<[1], [0], [0], [1], [0, 0, 1, 1], [], []>, transpose_lhs_hint = false} : vector<32x14xf32>, vector<14x512xf32>, vector<32x512xf32> -> vector<32x512xf32>
    %add3A_25 = vector.broadcast %get3A_7 : vector<32x1xf32> to vector<32x512xf32>
    %add3A_26 = arith.addf %dot_general3A_24, %add3A_25 : vector<32x512xf32>
    %slice3A_27 = vector.extract_strided_slice %add3A_26 {offsets = [0, 0], sizes = [16, 512], strides = [1, 1]} : vector<32x512xf32> to vector<16x512xf32>
    %slice3A_28 = vector.extract_strided_slice %add3A_26 {offsets = [16, 0], sizes = [16, 512], strides = [1, 1]} : vector<32x512xf32> to vector<16x512xf32>
    %slice3A_29 = vector.extract_strided_slice %slice3A_22 {offsets = [0, 0], sizes = [2, 512], strides = [1, 1]} : vector<14x512xf32> to vector<2x512xf32>
    %slice3A_30 = vector.extract_strided_slice %get3A_1 {offsets = [28, 0], sizes = [14, 512], strides = [1, 1]} : vector<42x512xf32> to vector<14x512xf32>
    %dot_general3A_31 = arith.constant dense<0.000000e+00> : vector<32x512xf32>
    %dot_general3A_32 = tpu.matmul %get3A_4, %slice3A_30, %dot_general3A_31 {dimension_numbers = #tpu.dot_dimension_numbers<[1], [0], [0], [1], [0, 0, 1, 1], [], []>, transpose_lhs_hint = false} : vector<32x14xf32>, vector<14x512xf32>, vector<32x512xf32> -> vector<32x512xf32>
    %add3A_33 = vector.broadcast %get3A_7 : vector<32x1xf32> to vector<32x512xf32>
    %add3A_34 = arith.addf %dot_general3A_32, %add3A_33 : vector<32x512xf32>
    %slice3A_35 = vector.extract_strided_slice %add3A_34 {offsets = [0, 0], sizes = [16, 512], strides = [1, 1]} : vector<32x512xf32> to vector<16x512xf32>
    %slice3A_36 = vector.extract_strided_slice %add3A_34 {offsets = [16, 0], sizes = [16, 512], strides = [1, 1]} : vector<32x512xf32> to vector<16x512xf32>
    %slice3A_37 = vector.extract_strided_slice %slice3A_30 {offsets = [0, 0], sizes = [2, 512], strides = [1, 1]} : vector<14x512xf32> to vector<2x512xf32>
    %slice3A_38 = vector.extract_strided_slice %slice3A_29 {offsets = [0, 0], sizes = [1, 512], strides = [1, 1]} : vector<2x512xf32> to vector<1x512xf32>
    %slice3A_39 = vector.extract_strided_slice %slice3A_21 {offsets = [0, 0], sizes = [1, 512], strides = [1, 1]} : vector<2x512xf32> to vector<1x512xf32>
    %sub3A = arith.subf %slice3A_38, %slice3A_39 : vector<1x512xf32>
    %slice3A_40 = vector.extract_strided_slice %slice3A_29 {offsets = [1, 0], sizes = [1, 512], strides = [1, 1]} : vector<2x512xf32> to vector<1x512xf32>
    %slice3A_41 = vector.extract_strided_slice %slice3A_21 {offsets = [1, 0], sizes = [1, 512], strides = [1, 1]} : vector<2x512xf32> to vector<1x512xf32>
    %sub3A_42 = arith.subf %slice3A_40, %slice3A_41 : vector<1x512xf32>
    %mul3A = arith.mulf %sub3A, %sub3A : vector<1x512xf32>
    %mul3A_43 = arith.mulf %sub3A_42, %sub3A_42 : vector<1x512xf32>
    %add3A_44 = arith.addf %mul3A, %mul3A_43 : vector<1x512xf32>
    %sqrt3A = math.sqrt %add3A_44 : vector<1x512xf32>
    %slice3A_45 = vector.extract_strided_slice %get3A_16 {offsets = [0, 0], sizes = [16, 1], strides = [1, 1]} : vector<16x3xf32> to vector<16x1xf32>
    %mul3A_46 = vector.broadcast %slice3A_45 : vector<16x1xf32> to vector<16x512xf32>
    %mul3A_47 = vector.broadcast %sub3A : vector<1x512xf32> to vector<16x512xf32>
    %mul3A_48 = arith.mulf %mul3A_46, %mul3A_47 : vector<16x512xf32>
    %slice3A_49 = vector.extract_strided_slice %get3A_16 {offsets = [0, 1], sizes = [16, 1], strides = [1, 1]} : vector<16x3xf32> to vector<16x1xf32>
    %mul3A_50 = vector.broadcast %slice3A_49 : vector<16x1xf32> to vector<16x512xf32>
    %mul3A_51 = vector.broadcast %sub3A_42 : vector<1x512xf32> to vector<16x512xf32>
    %mul3A_52 = arith.mulf %mul3A_50, %mul3A_51 : vector<16x512xf32>
    %add3A_53 = arith.addf %mul3A_48, %mul3A_52 : vector<16x512xf32>
    %slice3A_54 = vector.extract_strided_slice %get3A_16 {offsets = [0, 2], sizes = [16, 1], strides = [1, 1]} : vector<16x3xf32> to vector<16x1xf32>
    %mul3A_55 = vector.broadcast %slice3A_54 : vector<16x1xf32> to vector<16x512xf32>
    %mul3A_56 = vector.broadcast %sqrt3A : vector<1x512xf32> to vector<16x512xf32>
    %mul3A_57 = arith.mulf %mul3A_55, %mul3A_56 : vector<16x512xf32>
    %add3A_58 = arith.addf %add3A_53, %mul3A_57 : vector<16x512xf32>
    %add3A_59 = arith.addf %slice3A_19, %slice3A_28 : vector<16x512xf32>
    %add3A_60 = arith.addf %add3A_59, %add3A_58 : vector<16x512xf32>
    %gt3A = arith.constant 0.000000e+00 : f32
    %gt3A_61 = vector.broadcast %gt3A : f32 to vector<16x512xf32>
    %gt3A_62 = arith.cmpf ogt, %add3A_60, %gt3A_61 : vector<16x512xf32>
    %mul3A_63 = arith.constant 2.000000e-01 : f32
    %mul3A_64 = vector.broadcast %mul3A_63 : f32 to vector<16x512xf32>
    %mul3A_65 = arith.mulf %mul3A_64, %add3A_60 : vector<16x512xf32>
    %select_n3A = arith.select %gt3A_62, %add3A_60, %mul3A_65 : vector<16x512xi1>, vector<16x512xf32>
    %mul3A_66 = vector.broadcast %get3A_13 : vector<16x1xf32> to vector<16x512xf32>
    %mul3A_67 = arith.mulf %select_n3A, %mul3A_66 : vector<16x512xf32>
    %reduce_sum3A = arith.constant dense<0.000000e+00> : vector<512xf32>
    %reduce_sum3A_68 = vector.multi_reduction <add>, %mul3A_67, %reduce_sum3A [0] : vector<16x512xf32> to vector<512xf32>
    %broadcast_in_dim3A = vector.shape_cast %reduce_sum3A_68 : vector<512xf32> to vector<1x512xf32>
    %slice3A_69 = vector.extract_strided_slice %slice3A_37 {offsets = [0, 0], sizes = [1, 512], strides = [1, 1]} : vector<2x512xf32> to vector<1x512xf32>
    %slice3A_70 = vector.extract_strided_slice %slice3A_21 {offsets = [0, 0], sizes = [1, 512], strides = [1, 1]} : vector<2x512xf32> to vector<1x512xf32>
    %sub3A_71 = arith.subf %slice3A_69, %slice3A_70 : vector<1x512xf32>
    %slice3A_72 = vector.extract_strided_slice %slice3A_37 {offsets = [1, 0], sizes = [1, 512], strides = [1, 1]} : vector<2x512xf32> to vector<1x512xf32>
    %slice3A_73 = vector.extract_strided_slice %slice3A_21 {offsets = [1, 0], sizes = [1, 512], strides = [1, 1]} : vector<2x512xf32> to vector<1x512xf32>
    %sub3A_74 = arith.subf %slice3A_72, %slice3A_73 : vector<1x512xf32>
    %mul3A_75 = arith.mulf %sub3A_71, %sub3A_71 : vector<1x512xf32>
    %mul3A_76 = arith.mulf %sub3A_74, %sub3A_74 : vector<1x512xf32>
    %add3A_77 = arith.addf %mul3A_75, %mul3A_76 : vector<1x512xf32>
    %sqrt3A_78 = math.sqrt %add3A_77 : vector<1x512xf32>
    %slice3A_79 = vector.extract_strided_slice %get3A_16 {offsets = [0, 0], sizes = [16, 1], strides = [1, 1]} : vector<16x3xf32> to vector<16x1xf32>
    %mul3A_80 = vector.broadcast %slice3A_79 : vector<16x1xf32> to vector<16x512xf32>
    %mul3A_81 = vector.broadcast %sub3A_71 : vector<1x512xf32> to vector<16x512xf32>
    %mul3A_82 = arith.mulf %mul3A_80, %mul3A_81 : vector<16x512xf32>
    %slice3A_83 = vector.extract_strided_slice %get3A_16 {offsets = [0, 1], sizes = [16, 1], strides = [1, 1]} : vector<16x3xf32> to vector<16x1xf32>
    %mul3A_84 = vector.broadcast %slice3A_83 : vector<16x1xf32> to vector<16x512xf32>
    %mul3A_85 = vector.broadcast %sub3A_74 : vector<1x512xf32> to vector<16x512xf32>
    %mul3A_86 = arith.mulf %mul3A_84, %mul3A_85 : vector<16x512xf32>
    %add3A_87 = arith.addf %mul3A_82, %mul3A_86 : vector<16x512xf32>
    %slice3A_88 = vector.extract_strided_slice %get3A_16 {offsets = [0, 2], sizes = [16, 1], strides = [1, 1]} : vector<16x3xf32> to vector<16x1xf32>
    %mul3A_89 = vector.broadcast %slice3A_88 : vector<16x1xf32> to vector<16x512xf32>
    %mul3A_90 = vector.broadcast %sqrt3A_78 : vector<1x512xf32> to vector<16x512xf32>
    %mul3A_91 = arith.mulf %mul3A_89, %mul3A_90 : vector<16x512xf32>
    %add3A_92 = arith.addf %add3A_87, %mul3A_91 : vector<16x512xf32>
    %add3A_93 = arith.addf %slice3A_19, %slice3A_36 : vector<16x512xf32>
    %add3A_94 = arith.addf %add3A_93, %add3A_92 : vector<16x512xf32>
    %gt3A_95 = arith.constant 0.000000e+00 : f32
    %gt3A_96 = vector.broadcast %gt3A_95 : f32 to vector<16x512xf32>
    %gt3A_97 = arith.cmpf ogt, %add3A_94, %gt3A_96 : vector<16x512xf32>
    %mul3A_98 = arith.constant 2.000000e-01 : f32
    %mul3A_99 = vector.broadcast %mul3A_98 : f32 to vector<16x512xf32>
    %mul3A_100 = arith.mulf %mul3A_99, %add3A_94 : vector<16x512xf32>
    %select_n3A_101 = arith.select %gt3A_97, %add3A_94, %mul3A_100 : vector<16x512xi1>, vector<16x512xf32>
    %mul3A_102 = vector.broadcast %get3A_13 : vector<16x1xf32> to vector<16x512xf32>
    %mul3A_103 = arith.mulf %select_n3A_101, %mul3A_102 : vector<16x512xf32>
    %reduce_sum3A_104 = arith.constant dense<0.000000e+00> : vector<512xf32>
    %reduce_sum3A_105 = vector.multi_reduction <add>, %mul3A_103, %reduce_sum3A_104 [0] : vector<16x512xf32> to vector<512xf32>
    %broadcast_in_dim3A_106 = vector.shape_cast %reduce_sum3A_105 : vector<512xf32> to vector<1x512xf32>
    %slice3A_107 = vector.extract_strided_slice %slice3A_21 {offsets = [0, 0], sizes = [1, 512], strides = [1, 1]} : vector<2x512xf32> to vector<1x512xf32>
    %slice3A_108 = vector.extract_strided_slice %slice3A_29 {offsets = [0, 0], sizes = [1, 512], strides = [1, 1]} : vector<2x512xf32> to vector<1x512xf32>
    %sub3A_109 = arith.subf %slice3A_107, %slice3A_108 : vector<1x512xf32>
    %slice3A_110 = vector.extract_strided_slice %slice3A_21 {offsets = [1, 0], sizes = [1, 512], strides = [1, 1]} : vector<2x512xf32> to vector<1x512xf32>
    %slice3A_111 = vector.extract_strided_slice %slice3A_29 {offsets = [1, 0], sizes = [1, 512], strides = [1, 1]} : vector<2x512xf32> to vector<1x512xf32>
    %sub3A_112 = arith.subf %slice3A_110, %slice3A_111 : vector<1x512xf32>
    %mul3A_113 = arith.mulf %sub3A_109, %sub3A_109 : vector<1x512xf32>
    %mul3A_114 = arith.mulf %sub3A_112, %sub3A_112 : vector<1x512xf32>
    %add3A_115 = arith.addf %mul3A_113, %mul3A_114 : vector<1x512xf32>
    %sqrt3A_116 = math.sqrt %add3A_115 : vector<1x512xf32>
    %slice3A_117 = vector.extract_strided_slice %get3A_16 {offsets = [0, 0], sizes = [16, 1], strides = [1, 1]} : vector<16x3xf32> to vector<16x1xf32>
    %mul3A_118 = vector.broadcast %slice3A_117 : vector<16x1xf32> to vector<16x512xf32>
    %mul3A_119 = vector.broadcast %sub3A_109 : vector<1x512xf32> to vector<16x512xf32>
    %mul3A_120 = arith.mulf %mul3A_118, %mul3A_119 : vector<16x512xf32>
    %slice3A_121 = vector.extract_strided_slice %get3A_16 {offsets = [0, 1], sizes = [16, 1], strides = [1, 1]} : vector<16x3xf32> to vector<16x1xf32>
    %mul3A_122 = vector.broadcast %slice3A_121 : vector<16x1xf32> to vector<16x512xf32>
    %mul3A_123 = vector.broadcast %sub3A_112 : vector<1x512xf32> to vector<16x512xf32>
    %mul3A_124 = arith.mulf %mul3A_122, %mul3A_123 : vector<16x512xf32>
    %add3A_125 = arith.addf %mul3A_120, %mul3A_124 : vector<16x512xf32>
    %slice3A_126 = vector.extract_strided_slice %get3A_16 {offsets = [0, 2], sizes = [16, 1], strides = [1, 1]} : vector<16x3xf32> to vector<16x1xf32>
    %mul3A_127 = vector.broadcast %slice3A_126 : vector<16x1xf32> to vector<16x512xf32>
    %mul3A_128 = vector.broadcast %sqrt3A_116 : vector<1x512xf32> to vector<16x512xf32>
    %mul3A_129 = arith.mulf %mul3A_127, %mul3A_128 : vector<16x512xf32>
    %add3A_130 = arith.addf %add3A_125, %mul3A_129 : vector<16x512xf32>
    %add3A_131 = arith.addf %slice3A_27, %slice3A_20 : vector<16x512xf32>
    %add3A_132 = arith.addf %add3A_131, %add3A_130 : vector<16x512xf32>
    %gt3A_133 = arith.constant 0.000000e+00 : f32
    %gt3A_134 = vector.broadcast %gt3A_133 : f32 to vector<16x512xf32>
    %gt3A_135 = arith.cmpf ogt, %add3A_132, %gt3A_134 : vector<16x512xf32>
    %mul3A_136 = arith.constant 2.000000e-01 : f32
    %mul3A_137 = vector.broadcast %mul3A_136 : f32 to vector<16x512xf32>
    %mul3A_138 = arith.mulf %mul3A_137, %add3A_132 : vector<16x512xf32>
    %select_n3A_139 = arith.select %gt3A_135, %add3A_132, %mul3A_138 : vector<16x512xi1>, vector<16x512xf32>
    %mul3A_140 = vector.broadcast %get3A_13 : vector<16x1xf32> to vector<16x512xf32>
    %mul3A_141 = arith.mulf %select_n3A_139, %mul3A_140 : vector<16x512xf32>
    %reduce_sum3A_142 = arith.constant dense<0.000000e+00> : vector<512xf32>
    %reduce_sum3A_143 = vector.multi_reduction <add>, %mul3A_141, %reduce_sum3A_142 [0] : vector<16x512xf32> to vector<512xf32>
    %broadcast_in_dim3A_144 = vector.shape_cast %reduce_sum3A_143 : vector<512xf32> to vector<1x512xf32>
    %slice3A_145 = vector.extract_strided_slice %slice3A_37 {offsets = [0, 0], sizes = [1, 512], strides = [1, 1]} : vector<2x512xf32> to vector<1x512xf32>
    %slice3A_146 = vector.extract_strided_slice %slice3A_29 {offsets = [0, 0], sizes = [1, 512], strides = [1, 1]} : vector<2x512xf32> to vector<1x512xf32>
    %sub3A_147 = arith.subf %slice3A_145, %slice3A_146 : vector<1x512xf32>
    %slice3A_148 = vector.extract_strided_slice %slice3A_37 {offsets = [1, 0], sizes = [1, 512], strides = [1, 1]} : vector<2x512xf32> to vector<1x512xf32>
    %slice3A_149 = vector.extract_strided_slice %slice3A_29 {offsets = [1, 0], sizes = [1, 512], strides = [1, 1]} : vector<2x512xf32> to vector<1x512xf32>
    %sub3A_150 = arith.subf %slice3A_148, %slice3A_149 : vector<1x512xf32>
    %mul3A_151 = arith.mulf %sub3A_147, %sub3A_147 : vector<1x512xf32>
    %mul3A_152 = arith.mulf %sub3A_150, %sub3A_150 : vector<1x512xf32>
    %add3A_153 = arith.addf %mul3A_151, %mul3A_152 : vector<1x512xf32>
    %sqrt3A_154 = math.sqrt %add3A_153 : vector<1x512xf32>
    %slice3A_155 = vector.extract_strided_slice %get3A_16 {offsets = [0, 0], sizes = [16, 1], strides = [1, 1]} : vector<16x3xf32> to vector<16x1xf32>
    %mul3A_156 = vector.broadcast %slice3A_155 : vector<16x1xf32> to vector<16x512xf32>
    %mul3A_157 = vector.broadcast %sub3A_147 : vector<1x512xf32> to vector<16x512xf32>
    %mul3A_158 = arith.mulf %mul3A_156, %mul3A_157 : vector<16x512xf32>
    %slice3A_159 = vector.extract_strided_slice %get3A_16 {offsets = [0, 1], sizes = [16, 1], strides = [1, 1]} : vector<16x3xf32> to vector<16x1xf32>
    %mul3A_160 = vector.broadcast %slice3A_159 : vector<16x1xf32> to vector<16x512xf32>
    %mul3A_161 = vector.broadcast %sub3A_150 : vector<1x512xf32> to vector<16x512xf32>
    %mul3A_162 = arith.mulf %mul3A_160, %mul3A_161 : vector<16x512xf32>
    %add3A_163 = arith.addf %mul3A_158, %mul3A_162 : vector<16x512xf32>
    %slice3A_164 = vector.extract_strided_slice %get3A_16 {offsets = [0, 2], sizes = [16, 1], strides = [1, 1]} : vector<16x3xf32> to vector<16x1xf32>
    %mul3A_165 = vector.broadcast %slice3A_164 : vector<16x1xf32> to vector<16x512xf32>
    %mul3A_166 = vector.broadcast %sqrt3A_154 : vector<1x512xf32> to vector<16x512xf32>
    %mul3A_167 = arith.mulf %mul3A_165, %mul3A_166 : vector<16x512xf32>
    %add3A_168 = arith.addf %add3A_163, %mul3A_167 : vector<16x512xf32>
    %add3A_169 = arith.addf %slice3A_27, %slice3A_36 : vector<16x512xf32>
    %add3A_170 = arith.addf %add3A_169, %add3A_168 : vector<16x512xf32>
    %gt3A_171 = arith.constant 0.000000e+00 : f32
    %gt3A_172 = vector.broadcast %gt3A_171 : f32 to vector<16x512xf32>
    %gt3A_173 = arith.cmpf ogt, %add3A_170, %gt3A_172 : vector<16x512xf32>
    %mul3A_174 = arith.constant 2.000000e-01 : f32
    %mul3A_175 = vector.broadcast %mul3A_174 : f32 to vector<16x512xf32>
    %mul3A_176 = arith.mulf %mul3A_175, %add3A_170 : vector<16x512xf32>
    %select_n3A_177 = arith.select %gt3A_173, %add3A_170, %mul3A_176 : vector<16x512xi1>, vector<16x512xf32>
    %mul3A_178 = vector.broadcast %get3A_13 : vector<16x1xf32> to vector<16x512xf32>
    %mul3A_179 = arith.mulf %select_n3A_177, %mul3A_178 : vector<16x512xf32>
    %reduce_sum3A_180 = arith.constant dense<0.000000e+00> : vector<512xf32>
    %reduce_sum3A_181 = vector.multi_reduction <add>, %mul3A_179, %reduce_sum3A_180 [0] : vector<16x512xf32> to vector<512xf32>
    %broadcast_in_dim3A_182 = vector.shape_cast %reduce_sum3A_181 : vector<512xf32> to vector<1x512xf32>
    %slice3A_183 = vector.extract_strided_slice %slice3A_21 {offsets = [0, 0], sizes = [1, 512], strides = [1, 1]} : vector<2x512xf32> to vector<1x512xf32>
    %slice3A_184 = vector.extract_strided_slice %slice3A_37 {offsets = [0, 0], sizes = [1, 512], strides = [1, 1]} : vector<2x512xf32> to vector<1x512xf32>
    %sub3A_185 = arith.subf %slice3A_183, %slice3A_184 : vector<1x512xf32>
    %slice3A_186 = vector.extract_strided_slice %slice3A_21 {offsets = [1, 0], sizes = [1, 512], strides = [1, 1]} : vector<2x512xf32> to vector<1x512xf32>
    %slice3A_187 = vector.extract_strided_slice %slice3A_37 {offsets = [1, 0], sizes = [1, 512], strides = [1, 1]} : vector<2x512xf32> to vector<1x512xf32>
    %sub3A_188 = arith.subf %slice3A_186, %slice3A_187 : vector<1x512xf32>
    %mul3A_189 = arith.mulf %sub3A_185, %sub3A_185 : vector<1x512xf32>
    %mul3A_190 = arith.mulf %sub3A_188, %sub3A_188 : vector<1x512xf32>
    %add3A_191 = arith.addf %mul3A_189, %mul3A_190 : vector<1x512xf32>
    %sqrt3A_192 = math.sqrt %add3A_191 : vector<1x512xf32>
    %slice3A_193 = vector.extract_strided_slice %get3A_16 {offsets = [0, 0], sizes = [16, 1], strides = [1, 1]} : vector<16x3xf32> to vector<16x1xf32>
    %mul3A_194 = vector.broadcast %slice3A_193 : vector<16x1xf32> to vector<16x512xf32>
    %mul3A_195 = vector.broadcast %sub3A_185 : vector<1x512xf32> to vector<16x512xf32>
    %mul3A_196 = arith.mulf %mul3A_194, %mul3A_195 : vector<16x512xf32>
    %slice3A_197 = vector.extract_strided_slice %get3A_16 {offsets = [0, 1], sizes = [16, 1], strides = [1, 1]} : vector<16x3xf32> to vector<16x1xf32>
    %mul3A_198 = vector.broadcast %slice3A_197 : vector<16x1xf32> to vector<16x512xf32>
    %mul3A_199 = vector.broadcast %sub3A_188 : vector<1x512xf32> to vector<16x512xf32>
    %mul3A_200 = arith.mulf %mul3A_198, %mul3A_199 : vector<16x512xf32>
    %add3A_201 = arith.addf %mul3A_196, %mul3A_200 : vector<16x512xf32>
    %slice3A_202 = vector.extract_strided_slice %get3A_16 {offsets = [0, 2], sizes = [16, 1], strides = [1, 1]} : vector<16x3xf32> to vector<16x1xf32>
    %mul3A_203 = vector.broadcast %slice3A_202 : vector<16x1xf32> to vector<16x512xf32>
    %mul3A_204 = vector.broadcast %sqrt3A_192 : vector<1x512xf32> to vector<16x512xf32>
    %mul3A_205 = arith.mulf %mul3A_203, %mul3A_204 : vector<16x512xf32>
    %add3A_206 = arith.addf %add3A_201, %mul3A_205 : vector<16x512xf32>
    %add3A_207 = arith.addf %slice3A_35, %slice3A_20 : vector<16x512xf32>
    %add3A_208 = arith.addf %add3A_207, %add3A_206 : vector<16x512xf32>
    %gt3A_209 = arith.constant 0.000000e+00 : f32
    %gt3A_210 = vector.broadcast %gt3A_209 : f32 to vector<16x512xf32>
    %gt3A_211 = arith.cmpf ogt, %add3A_208, %gt3A_210 : vector<16x512xf32>
    %mul3A_212 = arith.constant 2.000000e-01 : f32
    %mul3A_213 = vector.broadcast %mul3A_212 : f32 to vector<16x512xf32>
    %mul3A_214 = arith.mulf %mul3A_213, %add3A_208 : vector<16x512xf32>
    %select_n3A_215 = arith.select %gt3A_211, %add3A_208, %mul3A_214 : vector<16x512xi1>, vector<16x512xf32>
    %mul3A_216 = vector.broadcast %get3A_13 : vector<16x1xf32> to vector<16x512xf32>
    %mul3A_217 = arith.mulf %select_n3A_215, %mul3A_216 : vector<16x512xf32>
    %reduce_sum3A_218 = arith.constant dense<0.000000e+00> : vector<512xf32>
    %reduce_sum3A_219 = vector.multi_reduction <add>, %mul3A_217, %reduce_sum3A_218 [0] : vector<16x512xf32> to vector<512xf32>
    %broadcast_in_dim3A_220 = vector.shape_cast %reduce_sum3A_219 : vector<512xf32> to vector<1x512xf32>
    %slice3A_221 = vector.extract_strided_slice %slice3A_29 {offsets = [0, 0], sizes = [1, 512], strides = [1, 1]} : vector<2x512xf32> to vector<1x512xf32>
    %slice3A_222 = vector.extract_strided_slice %slice3A_37 {offsets = [0, 0], sizes = [1, 512], strides = [1, 1]} : vector<2x512xf32> to vector<1x512xf32>
    %sub3A_223 = arith.subf %slice3A_221, %slice3A_222 : vector<1x512xf32>
    %slice3A_224 = vector.extract_strided_slice %slice3A_29 {offsets = [1, 0], sizes = [1, 512], strides = [1, 1]} : vector<2x512xf32> to vector<1x512xf32>
    %slice3A_225 = vector.extract_strided_slice %slice3A_37 {offsets = [1, 0], sizes = [1, 512], strides = [1, 1]} : vector<2x512xf32> to vector<1x512xf32>
    %sub3A_226 = arith.subf %slice3A_224, %slice3A_225 : vector<1x512xf32>
    %mul3A_227 = arith.mulf %sub3A_223, %sub3A_223 : vector<1x512xf32>
    %mul3A_228 = arith.mulf %sub3A_226, %sub3A_226 : vector<1x512xf32>
    %add3A_229 = arith.addf %mul3A_227, %mul3A_228 : vector<1x512xf32>
    %sqrt3A_230 = math.sqrt %add3A_229 : vector<1x512xf32>
    %slice3A_231 = vector.extract_strided_slice %get3A_16 {offsets = [0, 0], sizes = [16, 1], strides = [1, 1]} : vector<16x3xf32> to vector<16x1xf32>
    %mul3A_232 = vector.broadcast %slice3A_231 : vector<16x1xf32> to vector<16x512xf32>
    %mul3A_233 = vector.broadcast %sub3A_223 : vector<1x512xf32> to vector<16x512xf32>
    %mul3A_234 = arith.mulf %mul3A_232, %mul3A_233 : vector<16x512xf32>
    %slice3A_235 = vector.extract_strided_slice %get3A_16 {offsets = [0, 1], sizes = [16, 1], strides = [1, 1]} : vector<16x3xf32> to vector<16x1xf32>
    %mul3A_236 = vector.broadcast %slice3A_235 : vector<16x1xf32> to vector<16x512xf32>
    %mul3A_237 = vector.broadcast %sub3A_226 : vector<1x512xf32> to vector<16x512xf32>
    %mul3A_238 = arith.mulf %mul3A_236, %mul3A_237 : vector<16x512xf32>
    %add3A_239 = arith.addf %mul3A_234, %mul3A_238 : vector<16x512xf32>
    %slice3A_240 = vector.extract_strided_slice %get3A_16 {offsets = [0, 2], sizes = [16, 1], strides = [1, 1]} : vector<16x3xf32> to vector<16x1xf32>
    %mul3A_241 = vector.broadcast %slice3A_240 : vector<16x1xf32> to vector<16x512xf32>
    %mul3A_242 = vector.broadcast %sqrt3A_230 : vector<1x512xf32> to vector<16x512xf32>
    %mul3A_243 = arith.mulf %mul3A_241, %mul3A_242 : vector<16x512xf32>
    %add3A_244 = arith.addf %add3A_239, %mul3A_243 : vector<16x512xf32>
    %add3A_245 = arith.addf %slice3A_35, %slice3A_28 : vector<16x512xf32>
    %add3A_246 = arith.addf %add3A_245, %add3A_244 : vector<16x512xf32>
    %gt3A_247 = arith.constant 0.000000e+00 : f32
    %gt3A_248 = vector.broadcast %gt3A_247 : f32 to vector<16x512xf32>
    %gt3A_249 = arith.cmpf ogt, %add3A_246, %gt3A_248 : vector<16x512xf32>
    %mul3A_250 = arith.constant 2.000000e-01 : f32
    %mul3A_251 = vector.broadcast %mul3A_250 : f32 to vector<16x512xf32>
    %mul3A_252 = arith.mulf %mul3A_251, %add3A_246 : vector<16x512xf32>
    %select_n3A_253 = arith.select %gt3A_249, %add3A_246, %mul3A_252 : vector<16x512xi1>, vector<16x512xf32>
    %mul3A_254 = vector.broadcast %get3A_13 : vector<16x1xf32> to vector<16x512xf32>
    %mul3A_255 = arith.mulf %select_n3A_253, %mul3A_254 : vector<16x512xf32>
    %reduce_sum3A_256 = arith.constant dense<0.000000e+00> : vector<512xf32>
    %reduce_sum3A_257 = vector.multi_reduction <add>, %mul3A_255, %reduce_sum3A_256 [0] : vector<16x512xf32> to vector<512xf32>
    %broadcast_in_dim3A_258 = vector.shape_cast %reduce_sum3A_257 : vector<512xf32> to vector<1x512xf32>
    %broadcast_in_dim3A_259 = arith.constant 0.000000e+00 : f32
    %broadcast_in_dim3A_260 = vector.broadcast %broadcast_in_dim3A_259 : f32 to vector<16x512xf32>
    %max3A = arith.maximumf %broadcast_in_dim3A_144, %broadcast_in_dim3A_220 : vector<1x512xf32>
    %sub3A_261 = arith.subf %broadcast_in_dim3A_144, %max3A : vector<1x512xf32>
    %exp3A = math.exp %sub3A_261 : vector<1x512xf32>
    %sub3A_262 = arith.subf %broadcast_in_dim3A_220, %max3A : vector<1x512xf32>
    %exp3A_263 = math.exp %sub3A_262 : vector<1x512xf32>
    %add3A_264 = arith.addf %exp3A, %exp3A_263 : vector<1x512xf32>
    %add3A_265 = arith.constant 1.000000e-16 : f32
    %add3A_266 = vector.broadcast %add3A_265 : f32 to vector<1x512xf32>
    %add3A_267 = arith.addf %add3A_264, %add3A_266 : vector<1x512xf32>
    %div3A = arith.divf %exp3A, %add3A_267 : vector<1x512xf32>
    %mul3A_268 = vector.broadcast %div3A : vector<1x512xf32> to vector<16x512xf32>
    %mul3A_269 = arith.mulf %mul3A_268, %slice3A_27 : vector<16x512xf32>
    %div3A_270 = arith.divf %exp3A_263, %add3A_267 : vector<1x512xf32>
    %mul3A_271 = vector.broadcast %div3A_270 : vector<1x512xf32> to vector<16x512xf32>
    %mul3A_272 = arith.mulf %mul3A_271, %slice3A_35 : vector<16x512xf32>
    %add3A_273 = arith.addf %mul3A_269, %mul3A_272 : vector<16x512xf32>
    %add3A_274 = vector.broadcast %get3A_10 : vector<16x1xf32> to vector<16x512xf32>
    %add3A_275 = arith.addf %add3A_273, %add3A_274 : vector<16x512xf32>
    %max3A_276 = arith.constant 0.000000e+00 : f32
    %max3A_277 = vector.broadcast %max3A_276 : f32 to vector<16x512xf32>
    %max3A_278 = arith.maximumf %add3A_275, %max3A_277 : vector<16x512xf32>
    %add3A_279 = arith.addf %broadcast_in_dim3A_260, %max3A_278 : vector<16x512xf32>
    %max3A_280 = arith.maximumf %broadcast_in_dim3A, %broadcast_in_dim3A_258 : vector<1x512xf32>
    %sub3A_281 = arith.subf %broadcast_in_dim3A, %max3A_280 : vector<1x512xf32>
    %exp3A_282 = math.exp %sub3A_281 : vector<1x512xf32>
    %sub3A_283 = arith.subf %broadcast_in_dim3A_258, %max3A_280 : vector<1x512xf32>
    %exp3A_284 = math.exp %sub3A_283 : vector<1x512xf32>
    %add3A_285 = arith.addf %exp3A_282, %exp3A_284 : vector<1x512xf32>
    %add3A_286 = arith.constant 1.000000e-16 : f32
    %add3A_287 = vector.broadcast %add3A_286 : f32 to vector<1x512xf32>
    %add3A_288 = arith.addf %add3A_285, %add3A_287 : vector<1x512xf32>
    %div3A_289 = arith.divf %exp3A_282, %add3A_288 : vector<1x512xf32>
    %mul3A_290 = vector.broadcast %div3A_289 : vector<1x512xf32> to vector<16x512xf32>
    %mul3A_291 = arith.mulf %mul3A_290, %slice3A_19 : vector<16x512xf32>
    %div3A_292 = arith.divf %exp3A_284, %add3A_288 : vector<1x512xf32>
    %mul3A_293 = vector.broadcast %div3A_292 : vector<1x512xf32> to vector<16x512xf32>
    %mul3A_294 = arith.mulf %mul3A_293, %slice3A_35 : vector<16x512xf32>
    %add3A_295 = arith.addf %mul3A_291, %mul3A_294 : vector<16x512xf32>
    %add3A_296 = vector.broadcast %get3A_10 : vector<16x1xf32> to vector<16x512xf32>
    %add3A_297 = arith.addf %add3A_295, %add3A_296 : vector<16x512xf32>
    %max3A_298 = arith.constant 0.000000e+00 : f32
    %max3A_299 = vector.broadcast %max3A_298 : f32 to vector<16x512xf32>
    %max3A_300 = arith.maximumf %add3A_297, %max3A_299 : vector<16x512xf32>
    %add3A_301 = arith.addf %add3A_279, %max3A_300 : vector<16x512xf32>
    %max3A_302 = arith.maximumf %broadcast_in_dim3A_106, %broadcast_in_dim3A_182 : vector<1x512xf32>
    %sub3A_303 = arith.subf %broadcast_in_dim3A_106, %max3A_302 : vector<1x512xf32>
    %exp3A_304 = math.exp %sub3A_303 : vector<1x512xf32>
    %sub3A_305 = arith.subf %broadcast_in_dim3A_182, %max3A_302 : vector<1x512xf32>
    %exp3A_306 = math.exp %sub3A_305 : vector<1x512xf32>
    %add3A_307 = arith.addf %exp3A_304, %exp3A_306 : vector<1x512xf32>
    %add3A_308 = arith.constant 1.000000e-16 : f32
    %add3A_309 = vector.broadcast %add3A_308 : f32 to vector<1x512xf32>
    %add3A_310 = arith.addf %add3A_307, %add3A_309 : vector<1x512xf32>
    %div3A_311 = arith.divf %exp3A_304, %add3A_310 : vector<1x512xf32>
    %mul3A_312 = vector.broadcast %div3A_311 : vector<1x512xf32> to vector<16x512xf32>
    %mul3A_313 = arith.mulf %mul3A_312, %slice3A_19 : vector<16x512xf32>
    %div3A_314 = arith.divf %exp3A_306, %add3A_310 : vector<1x512xf32>
    %mul3A_315 = vector.broadcast %div3A_314 : vector<1x512xf32> to vector<16x512xf32>
    %mul3A_316 = arith.mulf %mul3A_315, %slice3A_27 : vector<16x512xf32>
    %add3A_317 = arith.addf %mul3A_313, %mul3A_316 : vector<16x512xf32>
    %add3A_318 = vector.broadcast %get3A_10 : vector<16x1xf32> to vector<16x512xf32>
    %add3A_319 = arith.addf %add3A_317, %add3A_318 : vector<16x512xf32>
    %max3A_320 = arith.constant 0.000000e+00 : f32
    %max3A_321 = vector.broadcast %max3A_320 : f32 to vector<16x512xf32>
    %max3A_322 = arith.maximumf %add3A_319, %max3A_321 : vector<16x512xf32>
    %add3A_323 = arith.addf %add3A_301, %max3A_322 : vector<16x512xf32>
    %slice3A_324 = vector.extract_strided_slice %get3A_4 {offsets = [0, 0], sizes = [16, 14], strides = [1, 1]} : vector<32x14xf32> to vector<16x14xf32>
    %slice3A_325 = vector.extract_strided_slice %slice3A_324 {offsets = [0, 6], sizes = [16, 4], strides = [1, 1]} : vector<16x14xf32> to vector<16x4xf32>
    %slice3A_326 = vector.extract_strided_slice %slice3A_324 {offsets = [0, 10], sizes = [16, 4], strides = [1, 1]} : vector<16x14xf32> to vector<16x4xf32>
    %add3A_327 = arith.addf %slice3A_325, %slice3A_326 : vector<16x4xf32>
    %slice3A_328 = vector.extract_strided_slice %slice3A_324 {offsets = [0, 0], sizes = [16, 1], strides = [1, 1]} : vector<16x14xf32> to vector<16x1xf32>
    %slice3A_329 = vector.extract_strided_slice %add3A_327 {offsets = [0, 0], sizes = [16, 1], strides = [1, 1]} : vector<16x4xf32> to vector<16x1xf32>
    %sub3A_330 = arith.subf %slice3A_328, %slice3A_329 : vector<16x1xf32>
    %slice3A_331 = vector.extract_strided_slice %add3A_327 {offsets = [0, 2], sizes = [16, 1], strides = [1, 1]} : vector<16x4xf32> to vector<16x1xf32>
    %sub3A_332 = arith.subf %sub3A_330, %slice3A_331 : vector<16x1xf32>
    %slice3A_333 = vector.extract_strided_slice %slice3A_324 {offsets = [0, 1], sizes = [16, 1], strides = [1, 1]} : vector<16x14xf32> to vector<16x1xf32>
    %slice3A_334 = vector.extract_strided_slice %add3A_327 {offsets = [0, 1], sizes = [16, 1], strides = [1, 1]} : vector<16x4xf32> to vector<16x1xf32>
    %sub3A_335 = arith.subf %slice3A_333, %slice3A_334 : vector<16x1xf32>
    %slice3A_336 = vector.extract_strided_slice %add3A_327 {offsets = [0, 3], sizes = [16, 1], strides = [1, 1]} : vector<16x4xf32> to vector<16x1xf32>
    %sub3A_337 = arith.subf %sub3A_335, %slice3A_336 : vector<16x1xf32>
    %concatenate3A = tpu.concatenate %sub3A_332, %sub3A_337, %add3A_327 in 1 : vector<16x1xf32>, vector<16x1xf32>, vector<16x4xf32> -> vector<16x6xf32>
    %get3A_338 = arith.constant 0 : index
    %get3A_339 = arith.constant 0 : index
    %get3A_340 = vector.load %arg2[%get3A_338, %get3A_339] : memref<6x512xf32, #tpu.memory_space<vmem>>, vector<6x512xf32>
    %dot_general3A_341 = arith.constant dense<0.000000e+00> : vector<16x512xf32>
    %dot_general3A_342 = tpu.matmul %concatenate3A, %get3A_340, %dot_general3A_341 {dimension_numbers = #tpu.dot_dimension_numbers<[1], [0], [0], [1], [0, 0, 1, 1], [], []>, transpose_lhs_hint = false} : vector<16x6xf32>, vector<6x512xf32>, vector<16x512xf32> -> vector<16x512xf32>
    %slice3A_343 = vector.extract_strided_slice %get3A_7 {offsets = [0, 0], sizes = [16, 1], strides = [1, 1]} : vector<32x1xf32> to vector<16x1xf32>
    %add3A_344 = vector.broadcast %slice3A_343 : vector<16x1xf32> to vector<16x512xf32>
    %add3A_345 = arith.addf %dot_general3A_342, %add3A_344 : vector<16x512xf32>
    %add3A_346 = vector.broadcast %get3A_10 : vector<16x1xf32> to vector<16x512xf32>
    %add3A_347 = arith.addf %add3A_345, %add3A_346 : vector<16x512xf32>
    %max3A_348 = arith.constant 0.000000e+00 : f32
    %max3A_349 = vector.broadcast %max3A_348 : f32 to vector<16x512xf32>
    %max3A_350 = arith.maximumf %add3A_347, %max3A_349 : vector<16x512xf32>
    %mul3A_351 = arith.constant 3.000000e+00 : f32
    %mul3A_352 = vector.broadcast %mul3A_351 : f32 to vector<16x512xf32>
    %mul3A_353 = arith.mulf %mul3A_352, %max3A_350 : vector<16x512xf32>
    %concatenate3A_354 = tpu.concatenate %add3A_323, %mul3A_353 in 0 : vector<16x512xf32>, vector<16x512xf32> -> vector<32x512xf32>
    %get3A_355 = arith.constant 0 : index
    %get3A_356 = arith.constant 0 : index
    %get3A_357 = vector.load %arg8[%get3A_355, %get3A_356] : memref<128x32xf32, #tpu.memory_space<vmem>>, vector<128x32xf32>
    %dot_general3A_358 = arith.constant dense<0.000000e+00> : vector<128x512xf32>
    %dot_general3A_359 = tpu.matmul %get3A_357, %concatenate3A_354, %dot_general3A_358 {dimension_numbers = #tpu.dot_dimension_numbers<[1], [0], [0], [1], [0, 0, 1, 1], [], []>, transpose_lhs_hint = false} : vector<128x32xf32>, vector<32x512xf32>, vector<128x512xf32> -> vector<128x512xf32>
    %get3A_360 = arith.constant 0 : index
    %get3A_361 = arith.constant 0 : index
    %get3A_362 = vector.load %arg9[%get3A_360, %get3A_361] : memref<128x1xf32, #tpu.memory_space<vmem>>, vector<128x1xf32>
    %add3A_363 = vector.broadcast %get3A_362 : vector<128x1xf32> to vector<128x512xf32>
    %add3A_364 = arith.addf %dot_general3A_359, %add3A_363 : vector<128x512xf32>
    %max3A_365 = arith.constant 0.000000e+00 : f32
    %max3A_366 = vector.broadcast %max3A_365 : f32 to vector<128x512xf32>
    %max3A_367 = arith.maximumf %add3A_364, %max3A_366 : vector<128x512xf32>
    %get3A_368 = arith.constant 0 : index
    %get3A_369 = arith.constant 0 : index
    %get3A_370 = vector.load %arg10[%get3A_368, %get3A_369] : memref<32x128xf32, #tpu.memory_space<vmem>>, vector<32x128xf32>
    %dot_general3A_371 = arith.constant dense<0.000000e+00> : vector<32x512xf32>
    %dot_general3A_372 = tpu.matmul %get3A_370, %max3A_367, %dot_general3A_371 {dimension_numbers = #tpu.dot_dimension_numbers<[1], [0], [0], [1], [0, 0, 1, 1], [], []>, transpose_lhs_hint = false} : vector<32x128xf32>, vector<128x512xf32>, vector<32x512xf32> -> vector<32x512xf32>
    %get3A_373 = arith.constant 0 : index
    %get3A_374 = arith.constant 0 : index
    %get3A_375 = vector.load %arg11[%get3A_373, %get3A_374] : memref<32x1xf32, #tpu.memory_space<vmem>>, vector<32x1xf32>
    %add3A_376 = vector.broadcast %get3A_375 : vector<32x1xf32> to vector<32x512xf32>
    %add3A_377 = arith.addf %dot_general3A_372, %add3A_376 : vector<32x512xf32>
    %swap3A = arith.constant 0 : index
    %swap3A_378 = arith.constant 0 : index
    %swap3A_379 = vector.load %arg12[%swap3A, %swap3A_378] : memref<32x512xf32, #tpu.memory_space<vmem>>, vector<32x512xf32>
    tpu.vector_store %arg12[%swap3A, %swap3A_378], %add3A_377 {strides = array<i32>} : memref<32x512xf32, #tpu.memory_space<vmem>>, vector<32x512xf32>,
    return
  }
  func.func @transform_0(%arg0: i32) -> (i32, i32) {
    %c0_i32 = arith.constant 0 : i32
    %c0_i32_0 = arith.constant 0 : i32
    return %c0_i32, %arg0 : i32, i32
  }
  func.func @transform_1(%arg0: i32) -> (i32, i32) {
    %c0_i32 = arith.constant 0 : i32
    %c0_i32_0 = arith.constant 0 : i32
    return %c0_i32, %arg0 : i32, i32
  }
  func.func @transform_2(%arg0: i32) -> (i32, i32) {
    %c0_i32 = arith.constant 0 : i32
    %c0_i32_0 = arith.constant 0 : i32
    %c0_i32_1 = arith.constant 0 : i32
    return %c0_i32, %c0_i32_0 : i32, i32
  }
  func.func @transform_3(%arg0: i32) -> (i32, i32) {
    %c0_i32 = arith.constant 0 : i32
    %c0_i32_0 = arith.constant 0 : i32
    %c0_i32_1 = arith.constant 0 : i32
    return %c0_i32, %c0_i32_0 : i32, i32
  }
  func.func @transform_4(%arg0: i32) -> (i32, i32) {
    %c0_i32 = arith.constant 0 : i32
    %c0_i32_0 = arith.constant 0 : i32
    %c0_i32_1 = arith.constant 0 : i32
    return %c0_i32, %c0_i32_0 : i32, i32
  }
  func.func @transform_5(%arg0: i32) -> (i32, i32) {
    %c0_i32 = arith.constant 0 : i32
    %c0_i32_0 = arith.constant 0 : i32
    %c0_i32_1 = arith.constant 0 : i32
    return %c0_i32, %c0_i32_0 : i32, i32
  }
  func.func @transform_6(%arg0: i32) -> (i32, i32) {
    %c0_i32 = arith.constant 0 : i32
    %c0_i32_0 = arith.constant 0 : i32
    %c0_i32_1 = arith.constant 0 : i32
    return %c0_i32, %c0_i32_0 : i32, i32
  }
  func.func @transform_7(%arg0: i32) -> (i32, i32) {
    %c0_i32 = arith.constant 0 : i32
    %c0_i32_0 = arith.constant 0 : i32
    %c0_i32_1 = arith.constant 0 : i32
    return %c0_i32, %c0_i32_0 : i32, i32
  }
  func.func @transform_8(%arg0: i32) -> (i32, i32) {
    %c0_i32 = arith.constant 0 : i32
    %c0_i32_0 = arith.constant 0 : i32
    %c0_i32_1 = arith.constant 0 : i32
    return %c0_i32, %c0_i32_0 : i32, i32
  }
  func.func @transform_9(%arg0: i32) -> (i32, i32) {
    %c0_i32 = arith.constant 0 : i32
    %c0_i32_0 = arith.constant 0 : i32
    %c0_i32_1 = arith.constant 0 : i32
    return %c0_i32, %c0_i32_0 : i32, i32
  }
  func.func @transform_10(%arg0: i32) -> (i32, i32) {
    %c0_i32 = arith.constant 0 : i32
    %c0_i32_0 = arith.constant 0 : i32
    %c0_i32_1 = arith.constant 0 : i32
    return %c0_i32, %c0_i32_0 : i32, i32
  }
  func.func @transform_11(%arg0: i32) -> (i32, i32) {
    %c0_i32 = arith.constant 0 : i32
    %c0_i32_0 = arith.constant 0 : i32
    return %c0_i32, %arg0 : i32, i32
  }
}

module attributes {stable_mosaic.version = 14 : i64} {
  func.func @_sc_head_body(%arg0: i32, %arg1: memref<16x2048xf32, #tpu.memory_space<vmem>>, %arg2: memref<6x2048xf32, #tpu.memory_space<vmem>>, %arg3: memref<16x14xf32, #tpu.memory_space<vmem>>, %arg4: memref<16x1xf32, #tpu.memory_space<vmem>>, %arg5: memref<128x32xf32, #tpu.memory_space<vmem>>, %arg6: memref<128x1xf32, #tpu.memory_space<vmem>>, %arg7: memref<32x128xf32, #tpu.memory_space<vmem>>, %arg8: memref<32x1xf32, #tpu.memory_space<vmem>>, %arg9: memref<32x2048xf32, #tpu.memory_space<vmem>>) attributes {dimension_semantics = [#tpu.dimension_semantics<arbitrary>], iteration_bounds = array<i64: 4>, scalar_prefetch = 0 : i64, scratch_operands = 0 : i64, tpu.core_type = #tpu.core_type<tc>, window_params = [{transform_indices = @transform_0, window_bounds = array<i64: 16, 2048>}, {transform_indices = @transform_1, window_bounds = array<i64: 6, 2048>}, {pipeline_mode = #tpu.pipeline_mode<synchronous>, transform_indices = @transform_2, window_bounds = array<i64: 16, 14>}, {pipeline_mode = #tpu.pipeline_mode<synchronous>, transform_indices = @transform_3, window_bounds = array<i64: 16, 1>}, {pipeline_mode = #tpu.pipeline_mode<synchronous>, transform_indices = @transform_4, window_bounds = array<i64: 128, 32>}, {pipeline_mode = #tpu.pipeline_mode<synchronous>, transform_indices = @transform_5, window_bounds = array<i64: 128, 1>}, {pipeline_mode = #tpu.pipeline_mode<synchronous>, transform_indices = @transform_6, window_bounds = array<i64: 32, 128>}, {pipeline_mode = #tpu.pipeline_mode<synchronous>, transform_indices = @transform_7, window_bounds = array<i64: 32, 1>}, {transform_indices = @transform_8, window_bounds = array<i64: 32, 2048>}]} {
    %get3A = arith.constant 0 : index
    %get3A_0 = arith.constant 0 : index
    %get3A_1 = vector.load %arg3[%get3A, %get3A_0] : memref<16x14xf32, #tpu.memory_space<vmem>>, vector<16x14xf32>
    %slice3A = vector.extract_strided_slice %get3A_1 {offsets = [0, 6], sizes = [16, 4], strides = [1, 1]} : vector<16x14xf32> to vector<16x4xf32>
    %slice3A_2 = vector.extract_strided_slice %get3A_1 {offsets = [0, 10], sizes = [16, 4], strides = [1, 1]} : vector<16x14xf32> to vector<16x4xf32>
    %add3A = arith.addf %slice3A, %slice3A_2 : vector<16x4xf32>
    %slice3A_3 = vector.extract_strided_slice %get3A_1 {offsets = [0, 0], sizes = [16, 1], strides = [1, 1]} : vector<16x14xf32> to vector<16x1xf32>
    %slice3A_4 = vector.extract_strided_slice %add3A {offsets = [0, 0], sizes = [16, 1], strides = [1, 1]} : vector<16x4xf32> to vector<16x1xf32>
    %sub3A = arith.subf %slice3A_3, %slice3A_4 : vector<16x1xf32>
    %slice3A_5 = vector.extract_strided_slice %add3A {offsets = [0, 2], sizes = [16, 1], strides = [1, 1]} : vector<16x4xf32> to vector<16x1xf32>
    %sub3A_6 = arith.subf %sub3A, %slice3A_5 : vector<16x1xf32>
    %slice3A_7 = vector.extract_strided_slice %get3A_1 {offsets = [0, 1], sizes = [16, 1], strides = [1, 1]} : vector<16x14xf32> to vector<16x1xf32>
    %slice3A_8 = vector.extract_strided_slice %add3A {offsets = [0, 1], sizes = [16, 1], strides = [1, 1]} : vector<16x4xf32> to vector<16x1xf32>
    %sub3A_9 = arith.subf %slice3A_7, %slice3A_8 : vector<16x1xf32>
    %slice3A_10 = vector.extract_strided_slice %add3A {offsets = [0, 3], sizes = [16, 1], strides = [1, 1]} : vector<16x4xf32> to vector<16x1xf32>
    %sub3A_11 = arith.subf %sub3A_9, %slice3A_10 : vector<16x1xf32>
    %concatenate3A = tpu.concatenate %sub3A_6, %sub3A_11, %add3A in 1 : vector<16x1xf32>, vector<16x1xf32>, vector<16x4xf32> -> vector<16x6xf32>
    %get3A_12 = arith.constant 0 : index
    %get3A_13 = arith.constant 0 : index
    %get3A_14 = vector.load %arg2[%get3A_12, %get3A_13] : memref<6x2048xf32, #tpu.memory_space<vmem>>, vector<6x2048xf32>
    %dot_general3A = arith.constant dense<0.000000e+00> : vector<16x2048xf32>
    %dot_general3A_15 = tpu.matmul %concatenate3A, %get3A_14, %dot_general3A {dimension_numbers = #tpu.dot_dimension_numbers<[1], [0], [0], [1], [0, 0, 1, 1], [], []>, transpose_lhs_hint = false} : vector<16x6xf32>, vector<6x2048xf32>, vector<16x2048xf32> -> vector<16x2048xf32>
    %get3A_16 = arith.constant 0 : index
    %get3A_17 = arith.constant 0 : index
    %get3A_18 = vector.load %arg4[%get3A_16, %get3A_17] : memref<16x1xf32, #tpu.memory_space<vmem>>, vector<16x1xf32>
    %add3A_19 = vector.broadcast %get3A_18 : vector<16x1xf32> to vector<16x2048xf32>
    %add3A_20 = arith.addf %dot_general3A_15, %add3A_19 : vector<16x2048xf32>
    %max3A = arith.constant 0.000000e+00 : f32
    %max3A_21 = vector.broadcast %max3A : f32 to vector<16x2048xf32>
    %max3A_22 = arith.maximumf %add3A_20, %max3A_21 : vector<16x2048xf32>
    %mul3A = arith.constant 3.000000e+00 : f32
    %mul3A_23 = vector.broadcast %mul3A : f32 to vector<16x2048xf32>
    %mul3A_24 = arith.mulf %mul3A_23, %max3A_22 : vector<16x2048xf32>
    %get3A_25 = arith.constant 0 : index
    %get3A_26 = arith.constant 0 : index
    %get3A_27 = vector.load %arg1[%get3A_25, %get3A_26] : memref<16x2048xf32, #tpu.memory_space<vmem>>, vector<16x2048xf32>
    %concatenate3A_28 = tpu.concatenate %get3A_27, %mul3A_24 in 0 : vector<16x2048xf32>, vector<16x2048xf32> -> vector<32x2048xf32>
    %get3A_29 = arith.constant 0 : index
    %get3A_30 = arith.constant 0 : index
    %get3A_31 = vector.load %arg5[%get3A_29, %get3A_30] : memref<128x32xf32, #tpu.memory_space<vmem>>, vector<128x32xf32>
    %dot_general3A_32 = arith.constant dense<0.000000e+00> : vector<128x2048xf32>
    %dot_general3A_33 = tpu.matmul %get3A_31, %concatenate3A_28, %dot_general3A_32 {dimension_numbers = #tpu.dot_dimension_numbers<[1], [0], [0], [1], [0, 0, 1, 1], [], []>, transpose_lhs_hint = false} : vector<128x32xf32>, vector<32x2048xf32>, vector<128x2048xf32> -> vector<128x2048xf32>
    %get3A_34 = arith.constant 0 : index
    %get3A_35 = arith.constant 0 : index
    %get3A_36 = vector.load %arg6[%get3A_34, %get3A_35] : memref<128x1xf32, #tpu.memory_space<vmem>>, vector<128x1xf32>
    %add3A_37 = vector.broadcast %get3A_36 : vector<128x1xf32> to vector<128x2048xf32>
    %add3A_38 = arith.addf %dot_general3A_33, %add3A_37 : vector<128x2048xf32>
    %max3A_39 = arith.constant 0.000000e+00 : f32
    %max3A_40 = vector.broadcast %max3A_39 : f32 to vector<128x2048xf32>
    %max3A_41 = arith.maximumf %add3A_38, %max3A_40 : vector<128x2048xf32>
    %get3A_42 = arith.constant 0 : index
    %get3A_43 = arith.constant 0 : index
    %get3A_44 = vector.load %arg7[%get3A_42, %get3A_43] : memref<32x128xf32, #tpu.memory_space<vmem>>, vector<32x128xf32>
    %dot_general3A_45 = arith.constant dense<0.000000e+00> : vector<32x2048xf32>
    %dot_general3A_46 = tpu.matmul %get3A_44, %max3A_41, %dot_general3A_45 {dimension_numbers = #tpu.dot_dimension_numbers<[1], [0], [0], [1], [0, 0, 1, 1], [], []>, transpose_lhs_hint = false} : vector<32x128xf32>, vector<128x2048xf32>, vector<32x2048xf32> -> vector<32x2048xf32>
    %get3A_47 = arith.constant 0 : index
    %get3A_48 = arith.constant 0 : index
    %get3A_49 = vector.load %arg8[%get3A_47, %get3A_48] : memref<32x1xf32, #tpu.memory_space<vmem>>, vector<32x1xf32>
    %add3A_50 = vector.broadcast %get3A_49 : vector<32x1xf32> to vector<32x2048xf32>
    %add3A_51 = arith.addf %dot_general3A_46, %add3A_50 : vector<32x2048xf32>
    %swap3A = arith.constant 0 : index
    %swap3A_52 = arith.constant 0 : index
    %swap3A_53 = vector.load %arg9[%swap3A, %swap3A_52] : memref<32x2048xf32, #tpu.memory_space<vmem>>, vector<32x2048xf32>
    tpu.vector_store %arg9[%swap3A, %swap3A_52], %add3A_51 {strides = array<i32>} : memref<32x2048xf32, #tpu.memory_space<vmem>>, vector<32x2048xf32>,
    return
  }
  func.func @transform_0(%arg0: i32) -> (i32, i32) {
    %c0_i32 = arith.constant 0 : i32
    %c0_i32_0 = arith.constant 0 : i32
    return %c0_i32, %arg0 : i32, i32
  }
  func.func @transform_1(%arg0: i32) -> (i32, i32) {
    %c0_i32 = arith.constant 0 : i32
    %c0_i32_0 = arith.constant 0 : i32
    return %c0_i32, %arg0 : i32, i32
  }
  func.func @transform_2(%arg0: i32) -> (i32, i32) {
    %c0_i32 = arith.constant 0 : i32
    %c0_i32_0 = arith.constant 0 : i32
    %c0_i32_1 = arith.constant 0 : i32
    return %c0_i32, %c0_i32_0 : i32, i32
  }
  func.func @transform_3(%arg0: i32) -> (i32, i32) {
    %c0_i32 = arith.constant 0 : i32
    %c0_i32_0 = arith.constant 0 : i32
    %c0_i32_1 = arith.constant 0 : i32
    return %c0_i32, %c0_i32_0 : i32, i32
  }
  func.func @transform_4(%arg0: i32) -> (i32, i32) {
    %c0_i32 = arith.constant 0 : i32
    %c0_i32_0 = arith.constant 0 : i32
    %c0_i32_1 = arith.constant 0 : i32
    return %c0_i32, %c0_i32_0 : i32, i32
  }
  func.func @transform_5(%arg0: i32) -> (i32, i32) {
    %c0_i32 = arith.constant 0 : i32
    %c0_i32_0 = arith.constant 0 : i32
    %c0_i32_1 = arith.constant 0 : i32
    return %c0_i32, %c0_i32_0 : i32, i32
  }
  func.func @transform_6(%arg0: i32) -> (i32, i32) {
    %c0_i32 = arith.constant 0 : i32
    %c0_i32_0 = arith.constant 0 : i32
    %c0_i32_1 = arith.constant 0 : i32
    return %c0_i32, %c0_i32_0 : i32, i32
  }
  func.func @transform_7(%arg0: i32) -> (i32, i32) {
    %c0_i32 = arith.constant 0 : i32
    %c0_i32_0 = arith.constant 0 : i32
    %c0_i32_1 = arith.constant 0 : i32
    return %c0_i32, %c0_i32_0 : i32, i32
  }
  func.func @transform_8(%arg0: i32) -> (i32, i32) {
    %c0_i32 = arith.constant 0 : i32
    %c0_i32_0 = arith.constant 0 : i32
    return %c0_i32, %arg0 : i32, i32
  }
}

</mosaic_0001>

<sc_bundles>
// kernel: _run.5.cloned.1.call-start
scs
__scs_entry_jumppad:
0x0: {  	(pc) =	sbr.rel $0x88, $3  }
0x1: {  	(tag) =	ssettag $0x0;
	lr =	simm.s32 $0x1  }
0x2: {  	[smem:$0x3F92] =	sst lr;
	_ =	strace $0xD0000000  }
0x3: {  	_ = 	snop  }
0x4: {  	_ = 	snop  }
0x5: {  	_ = 	snop  }
0x6: {  	_ = 	snop  }
0x7: {  	_ = 	snop  }
__scs_overlays_trampoline_lowered:
0x8: {  	[smem:$0x3FA1] =	sst s0  }
0x9: {  	[smem:$0x3FA2] =	sst s1  }
0xa: {  	[smem:$0x3FA3] =	sst s2  }
0xb: {  	[smem:$0x3FA4] =	sst s3  }
0xc: {  	[smem:$0x3FA5] =	sst s4  }
0xd: {  	[smem:$0x3FA6] =	sst s5  }
0xe: {  	[smem:$0x3FA7] =	sst s6  }
0xf: {  	[smem:$0x3FA8] =	sst s7  }
0x10: {  	[smem:$0x3FA9] =	sst s8  }
0x11: {  	[smem:$0x3FAA] =	sst s9;
	s0 =	simm.s32 @!p0 $0x0  }
0x12: {  	s1 =	sld [smem:$0x3F90];
	s0 =	simm.s32 @p0 $0x1  }
0x13: {  	[smem:$0x3FAB] =	sst s0;
	s0 =	simm.s32 @!p1 $0x0  }
0x14: {  	s2 =	sld [smem:$0x3F8F];
	s0 =	simm.s32 @p1 $0x1  }
0x15: {  	[smem:$0x3FAC] =	sst s0;
	s0 =	simm.s32 @!p2 $0x0  }
0x16: {  	s3 =	sld [smem:$0x3FDB];
	s0 =	simm.s32 @p2 $0x1  }
0x17: {  	s4 =	simm.s32 $0x1BF5;
	[smem:$0x3FAE] =	sst s0  }
0x18: {  	s0 =	sld [smem:$0x3F91];
	_ =	swait.ge [sflag:s4], $0x0  }
0x19: {  	s7 =	sld [smem:$0x3F92]  }
0x1a: {  	s8 =	sadd.s32 $0xFFFFE003, lr  }
0x1b: {  	s9 =	sadd.s32 $0xFFFFFEF7, lr;
	s5 =	simm.s32 $0xFFFFFFFF;
	p2 =	slt.u32 s8, $0xFFFFF086  }
0x1c: {  	p1 =	slt.u32 s9, $0xF7A;
	s5 =	simm.s32 @!p2 $0x0  }
0x1d: {  	s5 =	simm.s32 @p1 $0x1;
	p0 =	seq.s32 s7, s2  }
0x1e: {  	s7 =	smul.u32 @!p0 $0xF7A, s2;
	p2 =	seq.s32 @!p0 s5, $0x0  }
0x1f: {  	s9 =	smul.u32 $0xF7A, s1;
	s8 =	simm.s32 @!p0 $0x1BF5;
	p2 =	por !p2, p0  }
0x20: {  	[sflag:s8] =	ssyncset.s32 @!p0 $0xFFFFF086;
	s6 =	sadd.s32 @!p0 s3, s7;
	s7 =	simm.s32 @!p0 $0x108  }
0x21: {  	s3 =	sadd.s32 s3, s9;
	s6 =	sadd.s32 @!p0 $0x88, s6;
	s7 =	simm.s32 @p2 $0x1082  }
0x22: {  	[simem:s7], [sflag:s8] =	dma.local @!p0 [hbm:s6], $0xF7A  }
0x23: {  	s9 =	sor.u32 $0xD0000000, s2;
	s6 =	simm.s32 $0x108;
	_ =	swait.ge @!p0 [sflag:s8], $0x0  }
0x24: {  	s3 =	sadd.s32 $0x88, s3;
	s6 =	simm.s32 @!p1 $0x1082;
	[sflag:s4] =	ssyncset.s32 $0xFFFFF086  }
0x25: {  	[simem:s6], [sflag:s4] =	dma.local [hbm:s3], $0xF7A  }
0x26: {  	[smem:$0x3F92] =	sst s1;
	(tag) =	ssettag s2;
	_ =	strace s9  }
0x27: {  	s1 =	sld [smem:$0x3FA2]  }
0x28: {  	s2 =	sld [smem:$0x3FA3]  }
0x29: {  	s4 =	sld [smem:$0x3FA5]  }
0x2a: {  	p0 =	seq.s32 s5, $0x0;
	s5 =	sld [smem:$0x3FA6]  }
0x2b: {  	s6 =	sld [smem:$0x3FA7]  }
0x2c: {  	s7 =	sld [smem:$0x3FA8]  }
0x2d: {  	s3 =	simm.s32 $0x108;
	s8 =	sld [smem:$0x3FA9]  }
0x2e: {  	s3 =	simm.s32 @!p0 $0x1082;
	s9 =	sld [smem:$0x3FAA]  }
0x2f: {  	lr =	sadd.s32 s0, s3;
	s0 =	sld [smem:$0x3FA1]  }
0x30: {  	s3 =	sld [smem:$0x3FA4]  }
0x31: {  	[smem:$0x3FAD] =	sst s10  }
0x32: {  	s10 =	sld [smem:$0x3FAB];
	_ =	sdelay $0x3  }
0x33: {  	p0 =	seq.s32 s10, $0x1;
	s10 =	sld [smem:$0x3FAD];
	_ =	sdelay $0x3  }
0x34: {  	[smem:$0x3FAD] =	sst s10  }
0x35: {  	s10 =	sld [smem:$0x3FAC];
	_ =	sdelay $0x3  }
0x36: {  	p1 =	seq.s32 s10, $0x1;
	s10 =	sld [smem:$0x3FAD];
	_ =	sdelay $0x3  }
0x37: {  	[smem:$0x3FAD] =	sst s10  }
0x38: {  	s10 =	sld [smem:$0x3FAE]  }
0x39: {  	_ = 	snop;
	(pc) =	sbr.ind lr, $3  }
0x3a: {  	_ = 	snop  }
0x3b: {  	_ = 	snop  }
0x3c: {  	p2 =	seq.s32 s10, $0x1;
	s10 =	sld [smem:$0x3FAD]  }
0x3d: {  	_ =	shalt  }
0x3e: {  	_ =	shalt  }
0x3f: {  	_ =	shalt  }
0x40: {  	_ =	shalt  }
0x41: {  	_ =	shalt  }
0x42: {  	_ =	shalt  }
0x43: {  	_ =	shalt  }
0x44: {  	_ =	shalt  }
0x45: {  	_ =	shalt  }
0x46: {  	_ =	shalt  }
0x47: {  	_ =	shalt  }
0x48: {  	_ =	shalt  }
0x49: {  	_ =	shalt  }
0x4a: {  	_ =	shalt  }
0x4b: {  	_ =	shalt  }
0x4c: {  	_ =	shalt  }
0x4d: {  	_ =	shalt  }
0x4e: {  	_ =	shalt  }
0x4f: {  	_ =	shalt  }
0x50: {  	_ =	shalt  }
0x51: {  	_ =	shalt  }
0x52: {  	_ =	shalt  }
0x53: {  	_ =	shalt  }
0x54: {  	_ =	shalt  }
0x55: {  	_ =	shalt  }
0x56: {  	_ =	shalt  }
0x57: {  	_ =	shalt  }
0x58: {  	_ =	shalt  }
0x59: {  	_ =	shalt  }
0x5a: {  	_ =	shalt  }
0x5b: {  	_ =	shalt  }
0x5c: {  	_ =	shalt  }
0x5d: {  	_ =	shalt  }
0x5e: {  	_ =	shalt  }
0x5f: {  	_ =	shalt  }
0x60: {  	_ =	shalt  }
0x61: {  	_ =	shalt  }
0x62: {  	_ =	shalt  }
0x63: {  	_ =	shalt  }
0x64: {  	_ =	shalt  }
0x65: {  	_ =	shalt  }
0x66: {  	_ =	shalt  }
0x67: {  	_ =	shalt  }
0x68: {  	_ =	shalt  }
0x69: {  	_ =	shalt  }
0x6a: {  	_ =	shalt  }
0x6b: {  	_ =	shalt  }
0x6c: {  	_ =	shalt  }
0x6d: {  	_ =	shalt  }
0x6e: {  	_ =	shalt  }
0x6f: {  	_ =	shalt  }
0x70: {  	_ =	shalt  }
0x71: {  	_ =	shalt  }
0x72: {  	_ =	shalt  }
0x73: {  	_ =	shalt  }
0x74: {  	_ =	shalt  }
0x75: {  	_ =	shalt  }
0x76: {  	_ =	shalt  }
0x77: {  	_ =	shalt  }
0x78: {  	_ =	shalt  }
0x79: {  	_ =	shalt  }
0x7a: {  	_ =	shalt  }
0x7b: {  	_ =	shalt  }
0x7c: {  	_ =	shalt  }
0x7d: {  	_ =	shalt  }
0x7e: {  	_ =	shalt  }
0x7f: {  	_ =	shalt  }
0x80: {  	_ =	shalt  }
0x81: {  	_ =	shalt  }
0x82: {  	_ =	shalt  }
0x83: {  	_ =	shalt  }
0x84: {  	_ =	shalt  }
0x85: {  	_ =	shalt  }
0x86: {  	_ =	shalt  }
0x87: {  	_ =	shalt  }
.Lfunc_end0:
.L_simem_size_0:
called_computation_lowered:
.L_overlay_start_0:
0x88: {  	s2 =	sld [smem:$0x3FD9]  }
0x89: {  	s3 =	sld [smem:$0x3FFE];
	_ =	sdelay $0x1  }
0x8a: {  	s1 =	srdreg.scid  }
0x8b: {  	s0 =	sand.u32 $0x1, s1  }
0x8c: {  	s17 =	sshll.u32 s0, $0xA;
	s2 =	sadd.s32 s3, s2  }
0x8d: {  	s2 =	sadd.s32 s2, s17  }
0x8e: {  	[smem:$0x3FB9] =	sst s2  }
0x8f: {  	_ = 	snop  }
0x90: {  	s2 =	sld [smem:$0x3FD0];
	(tm) =	ssettm $0x1  }
0x91: {  	s18 =	sld [smem:$0x3FFB];
	_ =	sdelay $0x3  }
0x92: {  	_ =	strace s18  }
0x93: {  	s3 =	sld [smem:$0x3FFC];
	_ =	sdelay $0x3  }
0x94: {  	_ =	strace s3  }
0x95: {  	s3 =	sld [smem:$0x3FFD];
	_ =	sdelay $0x3  }
0x96: {  	_ =	strace s3  }
0x97: {  	_ =	strace $0x8FFFFFFF  }
0x98: {  	s19 =	sld [smem:$0x3FDB];
	_ =	sdelay $0x1  }
0x99: {  	s4 =	simm.s32 $_scs_section_size  }
0x9a: {  	s5 =	simm.s32 $_size__tile_overlayer_lowered;
	s6 =	simm.s32 $_tile_overlayer_lowered  }
0x9b: {  	s22 =	simm.s32 $0x1BFF;
	s21 =	sshll.u32 s6, $0x1;
	s3 =	sadd.s32 s4, s19  }
0x9c: {  	s7 =	simm.s32 $0x0;
	s20 =	sshll.u32 s5, $0x1;
	s5 =	sadd.s32 s21, s3  }
0x9d: {  	[timem:s7], [sflag:s22] =	dma.local [hbm:s5], s20  }
0x9e: {  	_ =	swait.ge [sflag:s22], s20  }
0x9f: {  	s4 =	ssub.s32 $0x0, s20;
	[sflag:s22] =	ssyncset.done $0x0  }
0xa0: {  	[sflag:s22] =	ssyncadd.s32 s4;
	_ =	sdelay $0x1  }
0xa1: {  	s23 =	simm.s32 $0x1B8B  }
0xa2: {  	_ =	swait.ge [sflag:s23], $0x1  }
0xa3: {  	[sflag:s23] =	ssyncset.done $0x0  }
0xa4: {  	s25 =	simm.s32 $0x1B8E;
	s24 =	sld [smem:$0x3FFE];
	[sflag:s23] =	ssyncadd.s32 $0xFFFFFFFF  }
0xa5: {  	s26 =	simm.s32 $execute0_lowered;
	[smem:$0x3FD2] =	sst s25  }
0xa6: {  	s5 =	sshll.u32 s26, $0x1;
	_ =	strace $0x80000046;
	[dreg:$0x1] =	wrdreg $0xFFFFFFFF  }
0xa7: {  	s28 =	simm.s32 $_size_execute0_lowered;
	s3 =	sadd.s32 s3, s5;
	[dreg:$0x0] =	wrdreg $0x0  }
0xa8: {  	s5 =	sshll.u32 s28, $0x1;
	[dreg:$0x2] =	wrdreg s3  }
0xa9: {  	[dreg:$0x3] =	wrdreg s5  }
0xaa: {  	[dreg:$0x4] =	wrdreg $0xC0  }
0xab: {  	_ =	task [dreg:s7], $0x5FFFF  }
0xac: {  	[dreg:$0x1] =	wrdreg $0xFFFFFFFF  }
0xad: {  	[dreg:$0x0] =	wrdreg $0x60  }
0xae: {  	[dreg:$0x2] =	wrdreg s2  }
0xaf: {  	[dreg:$0x3] =	wrdreg s24  }
0xb0: {  	[dreg:$0x4] =	wrdreg $0x9  }
0xb1: {  	_ =	task.clear_ibuf [dreg:s7], $0x5FFFF;
	_ =	strace $0x90000046  }
0xb2: {  	s29 =	simm.s32 $0x9;
	_ =	strace $0x80000048  }
0xb3: {  	_ =	swait.ge [sflag:s29], $0x1  }
0xb4: {  	[sflag:s29] =	ssyncadd.s32 $0xFFFFFFFF  }
0xb5: {  	_ =	strace $0x90000048  }
0xb6: {  	_ =	sfence  }
0xb7: {  	s30 =	sld [smem:$0x0];
	_ =	sdelay $0x2  }
0xb8: {  	s31 =	sshll.u32 s1, $0xD;
	s1 =	sshrl.u32 s1, $0x2  }
0xb9: {  	s3 =	sand.u32 $0x4000, s31;
	s1 =	sadd.s32 s1, s30  }
0xba: {  	s0 =	sor.u32 s3, s0;
	s1 =	sshll.u32 s1, $0x11  }
0xbb: {  	s0 =	sor.u32 s1, s0  }
0xbc: {  	s0 =	sadd.s32 $0x8F2B, s0  }
0xbd: {  	[sflag:s0] =	ssyncadd.remote.s32 $0x1  }
0xbe: {  	_ =	sfence.sel $0xFFFF  }
0xbf: {  	[dreg:$0x0] =	wrdreg $0xFFFFFFFF;
	(pc) =	sbr.abs _section_cstart, $3  }
0xc0: {  	[dreg:$0x1] =	wrdreg $0xFFFFFFFF  }
0xc1: {  	_ =	task.clear_ibuf [dreg:s7], $0x2FFFF;
	_ =	strace $0x9FFFFFFF  }
0xc2: {  	(tm) =	ssettm $0x7FFFFFFF  }
0xc3: {  	_ =	shalt  }
tec
execute0_lowered:
.L_overlay_start_1:
0x0: {  	(tag) =	ssettag $0x1  }
0x1: {  	s4 =	rddreg [dreg:$0x0]  }
0x2: {  	s5 =	rddreg [dreg:$0x1]  }
0x3: {  	s0 =	rddreg [dreg:$0x2];
	s2 =	simm.s32 $0x0;
	s3 =	srdreg.scid  }
0x4: {  	s1 =	stileid.u32;
	s9 =	simm.s32 $0x1;
	s10 =	simm.s32 $0x2A00  }
0x5: {  	s11 =	simm.s32 $0x5000;
	s12 =	simm.s32 $0x0;
	s3 =	sand.u32 $0x1, s3  }
0x6: {  	[smem:$0x7FF] =	sst s2;
	s6 =	sshll.u32 s1, $0x6;
	s7 =	sshll.u32 s3, $0x5  }
0x7: {  	s8 =	ssub.s32 $0x2, s3;
	_ =	strace $0x80000047;
	s6 =	sor.u32 s7, s6  }
0x8: {  	s3 =	sadd.s32 $0x1E00, s5;
	s31 =	sshrl.u32 s8, $0x1;
	s5 =	sadd.s32 s6, s5  }
0x9: {  	s7 =	ssub.s32 s8, s31;
	s4 =	sadd.s32 s4, s6;
	s8 =	simm.s32 $0x2000  }
0xa: {  	s5 =	sadd.s32 $0x2400, s5;
	s6 =	smax.u32 s7, $0x1;
	s7 =	simm.s32 $0x100  }
.LBB2_1:
0xb: {  	[tilespmem:s2], [sflag:$0x1] =	stream.strided.gather [hbm4b:s4+s7], $0x2A00, s8, s7, $0x38;
	[tilespmem:$0x6000] =	vst v63  }
0xc: {  	_ =	swait.ge [sflag:s9], $0x2A00  }
0xd: {  	[sflag:s9] =	ssyncset.done $0x0  }
0xe: {  	[sflag:s9] =	ssyncadd.s32 $0xFFFFD600  }
0xf: {  	[tilespmem:s10], [sflag:$0x1] =	stream.linear.gather [hbm4b:s3+s2], $0x2300, $0x38;
	[tilespmem:$0x6000] =	vst v63  }
0x10: {  	_ =	swait.ge [sflag:s9], $0x2300  }
0x11: {  	[sflag:s9] =	ssyncset.done $0x0  }
0x12: {  	s13 =	simm.s32 $0x5000;
	s14 =	simm.s32 $0x0;
	[sflag:s9] =	ssyncadd.s32 $0xFFFFDD00  }
.LBB2_2:
0x13: {  	s16 =	sshll.u32 s14, $0x4  }
0x14: {  	v4 =	vld [tilespmem:s16+$0xE00]  }
0x15: {  	v2 =	vld [tilespmem:s16+$0x0]  }
0x16: {  	v5 =	vld [tilespmem:s16+$0xF00]  }
0x17: {  	v3 =	vld [tilespmem:s16+$0x100]  }
0x18: {  	v6 =	vld [tilespmem:s16+$0x1C00]  }
0x19: {  	v7 =	vld [tilespmem:s16+$0x1D00];
	_ =	sdelay $0x2  }
0x1a: {  	v0 =	vsub.f32 v4, v2  }
0x1b: {  	v1 =	vsub.f32 v5, v3;
	v2 =	vsub.f32 v6, v2  }
0x1c: {  	v3 =	vsub.f32 v7, v3;
	v4 =	vsub.f32 v6, v4  }
0x1d: {  	v5 =	vsub.f32 v7, v5;
	v8 =	vmul.f32 v0, v0;
	v9 =	vmul.f32 v1, v1  }
0x1e: {  	s15 =	simm.s32 $0x0;
	v6 =	vmul.f32 v2, v2;
	v7 =	vmul.f32 v3, v3  }
0x1f: {  	v22 =	vld [tilespmem:s15+$0x4800];
	v10 =	vmul.f32 v5, v5;
	v8 =	vadd.f32 v9, v8;
	v9 =	vmul.f32 v4, v4  }
0x20: {  	v29 =	vld [tilespmem:s15+$0x4A00];
	v6 =	vadd.f32 v7, v6  }
0x21: {  	v30 =	vld [tilespmem:s15+$0x3900];
	v7 =	vshra.s32 v8, $0x1;
	v10 =	vadd.f32 v10, v9;
	v9 =	vmul.f32 $5.000000000e-01, v8  }
0x22: {  	v23 =	vld [tilespmem:s15+$0x4700];
	v11 =	vshra.s32 v6, $0x1;
	v12 =	vmul.f32 $5.000000000e-01, v6;
	v7 =	vsub.s32 $0x5F3759DF, v7  }
0x23: {  	v31 =	vld [tilespmem:s15+$0x2B00];
	v11 =	vsub.s32 $0x5F3759DF, v11;
	v13 =	vshra.s32 v10, $0x1;
	v14 =	vmul.f32 $5.000000000e-01, v10  }
0x24: {  	v39 =	vld [tilespmem:s16+$0x1D00];
	v15 =	vmul.f32 v7, v9;
	v16 =	vmul.f32 v11, v12;
	v13 =	vsub.s32 $0x5F3759DF, v13  }
0x25: {  	v38 =	vld [tilespmem:s15+$0x2A00];
	v17 =	vmul.f32 v13, v14  }
0x26: {  	v42 =	vld [tilespmem:s16+$0x1C00];
	v15 =	vmul.f32 v7, v15;
	v16 =	vmul.f32 v11, v16  }
0x27: {  	v19 =	vld [tilespmem:s15+$0x4000];
	v17 =	vmul.f32 v13, v17  }
0x28: {  	v43 =	vld [tilespmem:s15+$0x3800];
	v15 =	vsub.f32 $1.500000000e+00, v15;
	v16 =	vsub.f32 $1.500000000e+00, v16  }
0x29: {  	v35 =	vld [tilespmem:s15+$0x2C00];
	v46 =	vmul.f32 v39, v31;
	v39 =	vmul.f32 v39, v30;
	v17 =	vsub.f32 $1.500000000e+00, v17  }
0x2a: {  	v37 =	vld [tilespmem:s16+$0x1E00];
	v7 =	vmul.f32 v7, v15;
	v11 =	vmul.f32 v11, v16  }
0x2b: {  	v45 =	vld [tilespmem:s16+$0xE00];
	v49 =	vmul.f32 v42, v38;
	v13 =	vmul.f32 v13, v17  }
0x2c: {  	v62 =	vld [tilespmem:s16+$0x0];
	v16 =	vmul.f32 v7, v9;
	v18 =	vmul.f32 v11, v12  }
0x2d: {  	v32 =	vld [tilespmem:s16+$0x1500];
	v42 =	vmul.f32 v42, v43;
	v20 =	vmul.f32 v13, v14  }
0x2e: {  	v47 =	vld [tilespmem:s16+$0xF00];
	v16 =	vmul.f32 v16, v7;
	v21 =	vmul.f32 v18, v11  }
0x2f: {  	v33 =	vld [tilespmem:s16+$0x1400];
	v52 =	vmul.f32 v37, v35;
	v24 =	vmul.f32 v20, v13  }
0x30: {  	v63 =	vld [tilespmem:s16+$0x100];
	v53 =	vmul.f32 v45, v38;
	v16 =	vsub.f32 $1.500000000e+00, v16;
	v25 =	vsub.f32 $1.500000000e+00, v21  }
0x31: {  	v26 =	vld [tilespmem:s15+$0x2F00];
	v45 =	vmul.f32 v45, v43;
	v38 =	vmul.f32 v62, v38;
	v24 =	vsub.f32 $1.500000000e+00, v24  }
0x32: {  	v40 =	vld [tilespmem:s15+$0x4B00];
	v7 =	vmul.f32 v16, v7;
	v11 =	vmul.f32 v25, v11  }
0x33: {  	v27 =	vld [tilespmem:s15+$0x3B00];
	v55 =	vmul.f32 v47, v31;
	v13 =	vmul.f32 v24, v13  }
0x34: {  	v34 =	vld [tilespmem:s15+$0x3A00];
	v9 =	vmul.f32 v7, v9;
	v12 =	vmul.f32 v11, v12  }
0x35: {  	v36 =	vld [tilespmem:s15+$0x2D00];
	v61 =	vmul.f32 v63, v30;
	v14 =	vmul.f32 v13, v14  }
0x36: {  	v28 =	vld [tilespmem:s16+$0x1F00];
	v49 =	vadd.f32 v49, v29;
	v9 =	vmul.f32 v9, v7;
	v12 =	vmul.f32 v12, v11  }
0x37: {  	v51 =	vld [tilespmem:s16+$0x1000];
	v42 =	vadd.f32 v42, v40;
	v53 =	vadd.f32 v53, v29;
	v14 =	vmul.f32 v14, v13  }
0x38: {  	v31 =	vmul.f32 v63, v31;
	v15 =	vld [tilespmem:s15+$0x4600];
	v9 =	vsub.f32 $1.500000000e+00, v9;
	v12 =	vsub.f32 $1.500000000e+00, v12  }
0x39: {  	v54 =	vld [tilespmem:s16+$0x300];
	v30 =	vmul.f32 v47, v30;
	v45 =	vadd.f32 v45, v40;
	v14 =	vsub.f32 $1.500000000e+00, v14  }
0x3a: {  	v56 =	vld [tilespmem:s15+$0x3C00];
	v29 =	vadd.f32 v38, v29;
	v7 =	vmul.f32 v9, v7;
	v9 =	vmul.f32 v12, v11  }
0x3b: {  	v38 =	vld [tilespmem:s16+$0x500];
	v53 =	vadd.f32 v55, v53;
	v12 =	vmul.f32 v23, v5;
	v11 =	vmul.f32 v14, v13  }
0x3c: {  	v46 =	vadd.f32 v46, v49;
	v49 =	vld [tilespmem:s15+$0x2E00];
	v8 =	vmul.f32 v7, v8;
	v9 =	vmul.f32 v9, v6  }
0x3d: {  	v30 =	vadd.f32 v30, v45;
	v45 =	vld [tilespmem:s16+$0x2300];
	v7 =	vmul.f32 v15, v2;
	v13 =	vmul.f32 v15, v4  }
0x3e: {  	v39 =	vadd.f32 v39, v42;
	v42 =	vld [tilespmem:s16+$0x1300];
	v10 =	vmul.f32 v11, v10;
	v11 =	vmul.f32 v23, v3  }
0x3f: {  	v29 =	vadd.f32 v31, v29;
	v20 =	vld [tilespmem:s15+$0x3F00];
	v14 =	vmul.f32 v23, v1;
	v15 =	vmul.f32 v15, v0  }
0x40: {  	v46 =	vadd.f32 v52, v46;
	v16 =	vld [tilespmem:s15+$0x3000];
	v41 =	vmul.f32 v22, v9;
	v7 =	vadd.f32 v11, v7  }
0x41: {  	v25 =	vld [tilespmem:s15+$0x3100];
	v11 =	vadd.f32 v12, v13;
	v13 =	vadd.f32 v14, v15;
	v15 =	vmul.f32 v22, v8  }
0x42: {  	v21 =	vld [tilespmem:s15+$0x3E00];
	v44 =	vmul.f32 v22, v10;
	v14 =	vsub.f32 v41, v7;
	v7 =	vadd.f32 v7, v41  }
0x43: {  	v50 =	vmul.f32 v28, v36;
	v24 =	vld [tilespmem:s15+$0x3D00];
	v12 =	vadd.f32 v13, v15;
	v15 =	vsub.f32 v15, v13  }
0x44: {  	v13 =	vsub.f32 v44, v11;
	v11 =	vadd.f32 v11, v44;
	v44 =	vld [tilespmem:s16+$0x200];
	v41 =	vmul.f32 v62, v43  }
0x45: {  	v31 =	vmul.f32 v54, v27;
	v46 =	vadd.f32 v50, v46;
	v43 =	vld [tilespmem:s16+$0x1100];
	v62 =	vmul.f32 v51, v35  }
0x46: {  	v48 =	vmul.f32 v33, v16;
	v47 =	vmul.f32 v32, v25;
	v60 =	vadd.f32 v41, v40;
	v41 =	vld [tilespmem:s16+$0x2000]  }
0x47: {  	v23 =	vmul.f32 v33, v21;
	v22 =	vmul.f32 v32, v20;
	v40 =	vld [tilespmem:s16+$0x400];
	v58 =	vadd.f32 v62, v53  }
0x48: {  	v53 =	vld [tilespmem:s16+$0x2100];
	v62 =	vmul.f32 v51, v34;
	v63 =	vadd.f32 v61, v60;
	v60 =	vmul.f32 v54, v36  }
0x49: {  	v55 =	vld [tilespmem:s15+$0x3300];
	v6 =	vimm.f32 $0.0e+00;
	v35 =	vmul.f32 v44, v35;
	v57 =	vmul.f32 v44, v34  }
0x4a: {  	v50 =	vld [tilespmem:s16+$0x2500];
	v30 =	vadd.f32 v62, v30;
	v59 =	vmul.f32 v43, v36;
	v34 =	vmul.f32 v37, v34  }
0x4b: {  	v17 =	vld [tilespmem:s15+$0x4200];
	v37 =	vmul.f32 v38, v24;
	v38 =	vmul.f32 v38, v26;
	v33 =	vadd.f32 v57, v63  }
0x4c: {  	v51 =	vld [tilespmem:s16+$0x600];
	v29 =	vadd.f32 v35, v29;
	v61 =	vmul.f32 v41, v49;
	v63 =	vmul.f32 v40, v56  }
0x4d: {  	v44 =	vld [tilespmem:s16+$0x1200];
	v36 =	vadd.f32 v59, v58;
	v57 =	vmul.f32 v43, v27;
	v59 =	vmul.f32 v53, v26  }
0x4e: {  	v18 =	vld [tilespmem:s15+$0x3400];
	v34 =	vadd.f32 v34, v39;
	v27 =	vmul.f32 v28, v27;
	v28 =	vmul.f32 v42, v24  }
0x4f: {  	v35 =	vld [tilespmem:s16+$0x2200];
	v24 =	vmul.f32 v53, v24;
	v31 =	vadd.f32 v31, v33;
	v29 =	vadd.f32 v60, v29  }
0x50: {  	v54 =	vld [tilespmem:s16+$0x2400];
	v32 =	vadd.f32 v61, v46;
	v60 =	vmul.f32 v40, v49;
	v30 =	vadd.f32 v57, v30  }
0x51: {  	v43 =	vld [tilespmem:s15+$0x3200];
	v61 =	vmul.f32 v45, v25;
	v57 =	vmul.f32 v51, v21;
	v27 =	vadd.f32 v27, v34  }
0x52: {  	v46 =	vld [tilespmem:s16+$0x800];
	v58 =	vmul.f32 v44, v56;
	v32 =	vadd.f32 v59, v32;
	v31 =	vadd.f32 v63, v31  }
0x53: {  	v34 =	vld [tilespmem:s16+$0x2900];
	v29 =	vadd.f32 v60, v29;
	v63 =	vmul.f32 v44, v49;
	v49 =	vmul.f32 v42, v26  }
0x54: {  	v44 =	vld [tilespmem:s16+$0x700];
	v59 =	vmul.f32 v50, v55;
	v62 =	vmul.f32 v35, v16;
	v30 =	vadd.f32 v58, v30  }
0x55: {  	v60 =	vld [tilespmem:s16+$0x900];
	v16 =	vmul.f32 v51, v16;
	v26 =	vadd.f32 v38, v29;
	v36 =	vadd.f32 v63, v36  }
0x56: {  	v52 =	vmul.f32 v54, v43;
	v29 =	vld [tilespmem:s16+$0x2600];
	v31 =	vadd.f32 v37, v31;
	v32 =	vadd.f32 v62, v32  }
0x57: {  	v21 =	vmul.f32 v35, v21;
	v37 =	vld [tilespmem:s16+$0x1700];
	v28 =	vadd.f32 v28, v30;
	v58 =	vadd.f32 v16, v26  }
0x58: {  	v26 =	vld [tilespmem:s16+$0x2700];
	v31 =	vadd.f32 v57, v31;
	v36 =	vadd.f32 v49, v36;
	v57 =	vmul.f32 v46, v43  }
0x59: {  	v49 =	vld [tilespmem:s16+$0x1600];
	v33 =	vadd.f32 v61, v32;
	v25 =	vmul.f32 v44, v25;
	v61 =	vmul.f32 v41, v56  }
0x5a: {  	v32 =	vld [tilespmem:s15+$0x3500];
	v30 =	vmul.f32 v44, v20;
	v20 =	vmul.f32 v45, v20;
	v56 =	vadd.f32 v48, v36  }
0x5b: {  	v41 =	vld [tilespmem:s16+$0xA00];
	v33 =	vadd.f32 v52, v33;
	v25 =	vadd.f32 v25, v58;
	v63 =	vmul.f32 v29, v18  }
0x5c: {  	v16 =	vld [tilespmem:s15+$0x4500];
	v51 =	vmul.f32 v29, v17;
	v27 =	vadd.f32 v61, v27;
	v29 =	vmul.f32 v46, v19  }
0x5d: {  	v58 =	vmul.f32 v60, v55;
	v30 =	vadd.f32 v30, v31;
	v62 =	vadd.f32 v59, v33;
	v33 =	vld [tilespmem:s15+$0x4100]  }
0x5e: {  	v35 =	vadd.f32 v47, v56;
	v24 =	vadd.f32 v24, v27;
	v59 =	vld [tilespmem:s16+$0xB00];
	v61 =	vmul.f32 v49, v43  }
0x5f: {  	v27 =	vld [tilespmem:s15+$0x4300];
	v25 =	vadd.f32 v57, v25;
	v45 =	vmul.f32 v49, v19;
	v38 =	vmul.f32 v26, v32  }
0x60: {  	v31 =	vld [tilespmem:s16+$0x1800];
	v40 =	vmul.f32 v41, v17;
	v39 =	vadd.f32 v63, v62;
	v21 =	vadd.f32 v21, v24  }
0x61: {  	v62 =	vadd.f32 v29, v30;
	v35 =	vadd.f32 v61, v35;
	v63 =	vmul.f32 v37, v55  }
0x62: {  	v20 =	vadd.f32 v20, v21;
	v21 =	vmul.f32 v54, v19;
	v19 =	vadd.f32 v23, v28  }
0x63: {  	v44 =	vld [tilespmem:s16+$0xC00];
	v24 =	vmul.f32 v60, v33;
	v60 =	vadd.f32 v58, v25;
	v25 =	vmul.f32 v34, v16  }
0x64: {  	v36 =	vld [tilespmem:s15+$0x3600];
	v43 =	vmul.f32 v59, v27;
	v20 =	vadd.f32 v21, v20;
	v21 =	vmul.f32 v50, v33  }
0x65: {  	v49 =	vadd.f32 v63, v35;
	v35 =	vld [tilespmem:s15+$0x3700];
	v47 =	vmul.f32 v59, v32;
	v50 =	vmul.f32 v31, v18  }
0x66: {  	v29 =	vld [tilespmem:s15+$0x4400];
	v22 =	vadd.f32 v22, v19;
	v19 =	vimm.f32 $0.0e+00;
	v20 =	vadd.f32 v21, v20  }
0x67: {  	v48 =	vadd.f32 v24, v62;
	v24 =	vld [tilespmem:s16+$0x2800];
	v21 =	vmul.f32 v41, v18;
	v41 =	vmul.f32 v31, v17  }
0x68: {  	v42 =	vld [tilespmem:s16+$0xD00];
	v17 =	vimm.f32 $0.0e+00;
	v18 =	vimm.f32 $0.0e+00;
	v23 =	vadd.f32 v51, v20  }
0x69: {  	s17 =	simm.s32 $0x40;
	v30 =	vld [tilespmem:s16+$0x1900];
	v46 =	vadd.f32 v21, v60;
	v21 =	vimm.f32 $0.0e+00;
	v20 =	vimm.f32 $0.0e+00  }
.LBB2_3:
0x6a: {  	s18 =	sshra.s32 s17, $0x2;
	p0 =	sne.s32 s17, $0x3C0;
	s17 =	sadd.s32 $0x40, s17;
	v31 =	vld [tilespmem:s15+$0x4900];
	v33 =	vmul.f32 v37, v33;
	v37 =	vadd.f32 v38, v39;
	v38 =	vmul.f32 v34, v35  }
0x6b: {  	v28 =	vld [tilespmem:s18+$0x4800];
	v39 =	vadd.f32 v47, v46;
	v46 =	vmul.f32 v44, v29;
	v22 =	vadd.f32 v45, v22  }
0x6c: {  	v44 =	vmul.f32 v44, v36;
	v45 =	vadd.f32 v50, v49;
	v47 =	vld [tilespmem:s16+$0x1A00];
	v49 =	vmul.f32 v24, v36  }
0x6d: {  	v24 =	vmul.f32 v24, v29;
	v50 =	vmul.f32 v42, v35;
	v22 =	vadd.f32 v33, v22;
	v33 =	vld [tilespmem:s16+$0x1B00]  }
0x6e: {  	v40 =	vadd.f32 v40, v48;
	v39 =	vadd.f32 v44, v39;
	v44 =	vmul.f32 v26, v27;
	v34 =	vld [tilespmem:s18+$0x4A00]  }
0x6f: {  	v32 =	vmul.f32 v30, v32;
	v37 =	vadd.f32 v49, v37;
	v26 =	vld [tilespmem:s18+$0x3900];
	v22 =	vadd.f32 v41, v22  }
0x70: {  	v40 =	vadd.f32 v43, v40;
	v42 =	vmul.f32 v42, v16;
	v23 =	vadd.f32 v44, v23;
	v41 =	vld [tilespmem:s18+$0x4600]  }
0x71: {  	v32 =	vadd.f32 v32, v45;
	v38 =	vadd.f32 v38, v37;
	v43 =	vld [tilespmem:s18+$0x4700];
	v36 =	vmul.f32 v47, v36  }
0x72: {  	v40 =	vadd.f32 v46, v40;
	v23 =	vadd.f32 v24, v23;
	v37 =	vld [tilespmem:s18+$0x2B00];
	v35 =	vmul.f32 v33, v35  }
0x73: {  	v27 =	vmul.f32 v30, v27;
	v39 =	vadd.f32 v50, v39;
	v44 =	vld [tilespmem:s18+$0x4500];
	v30 =	vadd.f32 v36, v32;
	[tilespmem:s15+$0x4F00] =	vst v38  }
0x74: {  	v45 =	vmul.f32 v28, v9;
	v32 =	vadd.f32 v42, v40;
	v36 =	vadd.f32 v25, v23;
	v24 =	vld [tilespmem:s18+$0x4000]  }
0x75: {  	v27 =	vadd.f32 v27, v22;
	v29 =	vmul.f32 v47, v29;
	v23 =	vld [tilespmem:s18+$0x4200];
	v30 =	vadd.f32 v35, v30  }
0x76: {  	v42 =	vmul.f32 v41, v2;
	v40 =	vadd.f32 v38, v32;
	v22 =	vld [tilespmem:s18+$0x3400];
	v35 =	vmul.f32 v43, v1  }
0x77: {  	v48 =	vmul.f32 v33, v16;
	v29 =	vadd.f32 v29, v27;
	v25 =	vld [tilespmem:s18+$0x3F00];
	v32 =	vadd.f32 v30, v32;
	[tilespmem:s15+$0x4E00] =	vst v30  }
0x78: {  	v46 =	vmul.f32 v43, v3;
	v33 =	vadd.f32 v36, v30;
	v14 =	vadd.f32 v40, v14;
	v27 =	vld [tilespmem:s18+$0x3E00];
	[tilespmem:s15+$0x4D00] =	vst v39;
	s15 =	smov.u32 s18  }
0x79: {  	v29 =	vadd.f32 v48, v29;
	v43 =	vmul.f32 v43, v5;
	v40 =	vadd.f32 v36, v39;
	v16 =	vmovc v44;
	v47 =	vld [tilespmem:s16+$0x1500]  }
0x7a: {  	v15 =	vadd.f32 v32, v15;
	vm0 =	vgt.f32 v14, $0.0e+00;
	v36 =	vmul.f32 $2.000000030e-01, v14;
	v44 =	vld [tilespmem:s16+$0x1400]  }
0x7b: {  	v48 =	vmul.f32 v41, v4;
	v39 =	vadd.f32 v29, v39;
	v29 =	vadd.f32 v38, v29;
	v32 =	vld [tilespmem:s15+$0x3000]  }
0x7c: {  	v11 =	vadd.f32 v33, v11;
	v38 =	vmul.f32 $2.000000030e-01, v15;
	v14 =	vsel vm0, v14, v36;
	v30 =	vld [tilespmem:s15+$0x3100]  }
0x7d: {  	v12 =	vadd.f32 v39, v12;
	v13 =	vadd.f32 v29, v13;
	vm0 =	vgt.f32 v15, $0.0e+00;
	v36 =	vld [tilespmem:s15+$0x2F00]  }
0x7e: {  	v7 =	vadd.f32 v40, v7;
	v14 =	vmul.f32 v14, v31;
	v15 =	vsel vm0, v15, v38;
	v29 =	vld [tilespmem:s15+$0x3D00]  }
0x7f: {  	v39 =	vmul.f32 $2.000000030e-01, v11;
	vm0 =	vgt.f32 v12, $0.0e+00;
	v38 =	vmul.f32 $2.000000030e-01, v12;
	v33 =	vld [tilespmem:s15+$0x3B00]  }
0x80: {  	vm1 =	vgt.f32 v7, $0.0e+00;
	v49 =	vmul.f32 $2.000000030e-01, v7;
	v50 =	vmul.f32 $2.000000030e-01, v13;
	v40 =	vld [tilespmem:s15+$0x3A00]  }
0x81: {  	v15 =	vmul.f32 v15, v31;
	v12 =	vsel vm0, v12, v38;
	vm0 =	vgt.f32 v13, $0.0e+00;
	v51 =	vld [tilespmem:s15+$0x2C00]  }
0x82: {  	vm2 =	vgt.f32 v11, $0.0e+00;
	v12 =	vmul.f32 v12, v31;
	v13 =	vsel vm0, v13, v50;
	v52 =	vld [tilespmem:s15+$0x2D00]  }
0x83: {  	v7 =	vsel vm1, v7, v49;
	v11 =	vsel vm2, v11, v39;
	v13 =	vmul.f32 v13, v31;
	v38 =	vld [tilespmem:s16+$0x1F00]  }
0x84: {  	v11 =	vmul.f32 v11, v31;
	v21 =	vadd.f32 v14, v21;
	v6 =	vadd.f32 v15, v6;
	v49 =	vld [tilespmem:s16+$0x1E00]  }
0x85: {  	v7 =	vmul.f32 v7, v31;
	v19 =	vadd.f32 v12, v19;
	v20 =	vadd.f32 v13, v20;
	v50 =	vld [tilespmem:s15+$0x2A00]  }
0x86: {  	v15 =	vadd.f32 v46, v42;
	v17 =	vadd.f32 v11, v17;
	v13 =	vmul.f32 v41, v0;
	v12 =	vld [tilespmem:s16+$0x1D00]  }
0x87: {  	v11 =	vadd.f32 v43, v48;
	v18 =	vadd.f32 v7, v18;
	v41 =	vld [tilespmem:s15+$0x4B00]  }
0x88: {  	v14 =	vsub.f32 v45, v15;
	v13 =	vadd.f32 v35, v13;
	v42 =	vld [tilespmem:s16+$0x1C00]  }
0x89: {  	v46 =	vmul.f32 v28, v8;
	v7 =	vadd.f32 v15, v45;
	v45 =	vmul.f32 v28, v10;
	v43 =	vld [tilespmem:s15+$0x3800]  }
0x8a: {  	v31 =	vmul.f32 v44, v27;
	v28 =	vmul.f32 v47, v25;
	v48 =	vld [tilespmem:s16+$0xE00]  }
0x8b: {  	v53 =	vld [tilespmem:s16+$0x0];
	v54 =	vmul.f32 v12, v37;
	v55 =	vmul.f32 v12, v26;
	v12 =	vadd.f32 v13, v46  }
0x8c: {  	v39 =	vmul.f32 v44, v32;
	v35 =	vmul.f32 v47, v30;
	v15 =	vsub.f32 v46, v13;
	v56 =	vld [tilespmem:s16+$0xF00]  }
0x8d: {  	v47 =	vmul.f32 v38, v52;
	v13 =	vsub.f32 v45, v11;
	v44 =	vld [tilespmem:s16+$0x100];
	v46 =	vmul.f32 v42, v50  }
0x8e: {  	v58 =	vmul.f32 v49, v51;
	v11 =	vadd.f32 v11, v45;
	v57 =	vld [tilespmem:s16+$0x1000];
	v42 =	vmul.f32 v42, v43  }
0x8f: {  	v45 =	vld [tilespmem:s16+$0x200];
	v59 =	vmul.f32 v48, v50;
	v48 =	vmul.f32 v48, v43;
	v46 =	vadd.f32 v46, v34  }
0x90: {  	v50 =	vmul.f32 v53, v50;
	v43 =	vmul.f32 v53, v43;
	v53 =	vld [tilespmem:s16+$0x1100];
	v42 =	vadd.f32 v42, v41  }
0x91: {  	v60 =	vld [tilespmem:s16+$0x300];
	v59 =	vadd.f32 v59, v34;
	v48 =	vadd.f32 v48, v41;
	v61 =	vmul.f32 v56, v37  }
0x92: {  	v34 =	vadd.f32 v50, v34;
	v41 =	vadd.f32 v43, v41;
	v43 =	vmul.f32 v44, v26;
	v50 =	vld [tilespmem:s16+$0x2000]  }
0x93: {  	v46 =	vadd.f32 v54, v46;
	v62 =	vld [tilespmem:s15+$0x3C00];
	v59 =	vadd.f32 v61, v59;
	v61 =	vmul.f32 v57, v51  }
0x94: {  	v37 =	vmul.f32 v44, v37;
	v54 =	vld [tilespmem:s15+$0x2E00];
	v41 =	vadd.f32 v43, v41;
	v43 =	vmul.f32 v45, v51  }
0x95: {  	v46 =	vadd.f32 v58, v46;
	v44 =	vmul.f32 v45, v40;
	v45 =	vld [tilespmem:s16+$0x400];
	v51 =	vadd.f32 v61, v59  }
0x96: {  	v34 =	vadd.f32 v37, v34;
	v58 =	vmul.f32 v53, v52;
	v37 =	vmul.f32 v60, v33;
	v59 =	vld [tilespmem:s16+$0x2100]  }
0x97: {  	v26 =	vmul.f32 v56, v26;
	v46 =	vadd.f32 v47, v46;
	v41 =	vadd.f32 v44, v41;
	v44 =	vld [tilespmem:s16+$0x500]  }
0x98: {  	v34 =	vadd.f32 v43, v34;
	v43 =	vmul.f32 v60, v52;
	v47 =	vadd.f32 v58, v51;
	v51 =	vld [tilespmem:s16+$0x1200]  }
0x99: {  	v26 =	vadd.f32 v26, v48;
	v37 =	vadd.f32 v37, v41;
	v41 =	vmul.f32 v50, v54;
	v48 =	vld [tilespmem:s16+$0x2300]  }
0x9a: {  	v52 =	vmul.f32 v57, v40;
	v34 =	vadd.f32 v43, v34;
	v43 =	vmul.f32 v45, v62;
	v56 =	vld [tilespmem:s16+$0x2200]  }
0x9b: {  	v42 =	vadd.f32 v55, v42;
	v40 =	vmul.f32 v49, v40;
	v57 =	vld [tilespmem:s16+$0x600];
	v41 =	vadd.f32 v41, v46  }
0x9c: {  	v49 =	vmul.f32 v53, v33;
	v26 =	vadd.f32 v52, v26;
	v46 =	vmul.f32 v44, v29;
	v52 =	vld [tilespmem:s16+$0x1300]  }
0x9d: {  	v40 =	vadd.f32 v40, v42;
	v42 =	vmul.f32 v59, v36;
	v53 =	vld [tilespmem:s15+$0x3200];
	v55 =	vmul.f32 v51, v62  }
0x9e: {  	v45 =	vmul.f32 v45, v54;
	v26 =	vadd.f32 v49, v26;
	v49 =	vmul.f32 v48, v30;
	v58 =	vld [tilespmem:s16+$0x2400]  }
0x9f: {  	v37 =	vadd.f32 v43, v37;
	v41 =	vadd.f32 v42, v41;
	v60 =	vld [tilespmem:s15+$0x3300];
	v42 =	vmul.f32 v56, v32  }
0xa0: {  	v34 =	vadd.f32 v45, v34;
	v43 =	vmul.f32 v44, v36;
	v44 =	vmul.f32 v51, v54;
	v45 =	vld [tilespmem:s16+$0x2500]  }
0xa1: {  	v54 =	vadd.f32 v55, v26;
	v51 =	vld [tilespmem:s16+$0x700];
	v36 =	vmul.f32 v52, v36;
	v26 =	vadd.f32 v42, v41  }
0xa2: {  	v34 =	vadd.f32 v43, v34;
	v32 =	vmul.f32 v57, v32;
	v41 =	vmul.f32 v57, v27;
	v42 =	vld [tilespmem:s16+$0x2600]  }
0xa3: {  	v44 =	vadd.f32 v44, v47;
	v43 =	vld [tilespmem:s16+$0x800];
	v47 =	vadd.f32 v49, v26;
	v49 =	vmul.f32 v58, v53  }
0xa4: {  	v33 =	vmul.f32 v38, v33;
	v37 =	vadd.f32 v46, v37;
	v34 =	vadd.f32 v32, v34;
	v26 =	vld [tilespmem:s16+$0x2700]  }
0xa5: {  	v38 =	vmul.f32 v52, v29;
	v32 =	vld [tilespmem:s15+$0x3500];
	v46 =	vadd.f32 v49, v47;
	v47 =	vmul.f32 v45, v60  }
0xa6: {  	v40 =	vadd.f32 v33, v40;
	v41 =	vadd.f32 v41, v37;
	v37 =	vmul.f32 v51, v30;
	v30 =	vld [tilespmem:s16+$0x1900]  }
0xa7: {  	v36 =	vadd.f32 v36, v44;
	v44 =	vmul.f32 v50, v62;
	v49 =	vld [tilespmem:s16+$0x900];
	v46 =	vadd.f32 v47, v46  }
0xa8: {  	v50 =	vmul.f32 v42, v22;
	v52 =	vmul.f32 v42, v23;
	v33 =	vld [tilespmem:s15+$0x4100];
	v47 =	vadd.f32 v37, v34  }
0xa9: {  	v29 =	vmul.f32 v59, v29;
	v54 =	vadd.f32 v38, v54;
	v37 =	vadd.f32 v44, v40;
	v42 =	vld [tilespmem:s16+$0xA00]  }
0xaa: {  	v55 =	vadd.f32 v39, v36;
	v44 =	vmul.f32 v43, v24;
	v38 =	vmul.f32 v26, v32;
	v34 =	vld [tilespmem:s16+$0x2900]  }
0xab: {  	v27 =	vmul.f32 v56, v27;
	v36 =	vmul.f32 v51, v25;
	v29 =	vadd.f32 v29, v37;
	v51 =	vld [tilespmem:s16+$0x1600]  }
0xac: {  	v40 =	vmul.f32 v43, v53;
	v39 =	vadd.f32 v50, v46;
	v43 =	vmul.f32 v49, v60;
	v37 =	vld [tilespmem:s16+$0x1700]  }
0xad: {  	v25 =	vmul.f32 v48, v25;
	v29 =	vadd.f32 v27, v29;
	v46 =	vmul.f32 v49, v33;
	v56 =	vld [tilespmem:s16+$0xB00]  }
0xae: {  	v41 =	vadd.f32 v36, v41;
	v47 =	vadd.f32 v40, v47;
	v27 =	vld [tilespmem:s15+$0x4300];
	v40 =	vmul.f32 v42, v23  }
0xaf: {  	v49 =	vmul.f32 v58, v24;
	v48 =	vadd.f32 v25, v29;
	v50 =	vld [tilespmem:s16+$0x1800];
	v25 =	vmul.f32 v34, v16  }
0xb0: {  	v47 =	vadd.f32 v43, v47;
	v43 =	vadd.f32 v35, v55;
	v36 =	vld [tilespmem:s15+$0x3600];
	v53 =	vmul.f32 v51, v53  }
0xb1: {  	v55 =	vadd.f32 v44, v41;
	v41 =	vadd.f32 v49, v48;
	v48 =	vmul.f32 v45, v33;
	v29 =	vld [tilespmem:s15+$0x4400]  }
.Ltmp0:
0xb2: {  	v45 =	vmul.f32 v51, v24;
	v24 =	vmul.f32 v37, v60;
	v35 =	vld [tilespmem:s15+$0x3700];
	v49 =	vadd.f32 v53, v43;
	(pc) =	sbr.rel @p0 .LBB2_3-.Ltmp0, $4  }
0xb3: {  	v31 =	vadd.f32 v31, v54;
	v51 =	vadd.f32 v48, v41;
	v43 =	vmul.f32 v56, v27;
	v44 =	vld [tilespmem:s16+$0xC00]  }
0xb4: {  	v53 =	vmul.f32 v42, v22;
	v49 =	vadd.f32 v24, v49;
	v41 =	vmul.f32 v50, v23;
	v24 =	vld [tilespmem:s16+$0x2800]  }
0xb5: {  	v48 =	vadd.f32 v46, v55;
	v50 =	vmul.f32 v50, v22;
	v23 =	vadd.f32 v52, v51;
	v42 =	vld [tilespmem:s16+$0xD00]  }
0xb6: {  	v46 =	vadd.f32 v53, v47;
	v47 =	vmul.f32 v56, v32;
	v22 =	vadd.f32 v28, v31  }
0xb7: {  	v0 =	vld [tilespmem:s16+$0x1A00];
	_ =	sdelay $0x1  }
0xb8: {  	v1 =	vld [tilespmem:s16+$0x1B00];
	v3 =	vadd.f32 v40, v48  }
0xb9: {  	v2 =	vadd.f32 v50, v49;
	v4 =	vmul.f32 v30, v32  }
0xba: {  	v5 =	vadd.f32 v38, v39;
	v8 =	vmul.f32 v44, v29;
	v3 =	vadd.f32 v43, v3  }
0xbb: {  	v9 =	vmul.f32 v24, v36;
	v2 =	vadd.f32 v4, v2;
	v4 =	vmul.f32 v0, v36  }
0xbc: {  	v10 =	vmul.f32 v34, v35;
	v38 =	vmul.f32 v42, v16;
	v3 =	vadd.f32 v8, v3  }
0xbd: {  	v5 =	vadd.f32 v9, v5;
	v8 =	vmul.f32 v1, v35;
	v2 =	vadd.f32 v4, v2  }
0xbe: {  	v3 =	vadd.f32 v38, v3  }
0xbf: {  	v4 =	vadd.f32 v10, v5;
	v2 =	vadd.f32 v8, v2;
	_ =	sdelay $0x1  }
0xc0: {  	v5 =	vadd.f32 v4, v3;
	v3 =	vadd.f32 v2, v3;
	_ =	sdelay $0x1  }
0xc1: {  	v8 =	vld [tilespmem:s15+$0x4900];
	v5 =	vadd.f32 v5, v14;
	v3 =	vadd.f32 v3, v15  }
0xc2: {  	v39 =	vmul.f32 v37, v33  }
0xc3: {  	v40 =	vadd.f32 v45, v22;
	v14 =	vmul.f32 $2.000000030e-01, v5;
	v15 =	vmul.f32 $2.000000030e-01, v3  }
0xc4: {  	vm0 =	vgt.f32 v5, $0.0e+00;
	vm1 =	vgt.f32 v3, $0.0e+00  }
0xc5: {  	v9 =	vadd.f32 v39, v40;
	v5 =	vsel vm0, v5, v14;
	v3 =	vsel vm1, v3, v15  }
0xc6: {  	v5 =	vmul.f32 v5, v8;
	v3 =	vmul.f32 v3, v8  }
0xc7: {  	v45 =	vmul.f32 v30, v27;
	v43 =	vadd.f32 v47, v46;
	v9 =	vadd.f32 v41, v9  }
0xc8: {  	v46 =	vmul.f32 v44, v36;
	v5 =	vadd.f32 v5, v21;
	v3 =	vadd.f32 v3, v6  }
0xc9: {  	v0 =	vmul.f32 v0, v29;
	v6 =	vadd.f32 v45, v9  }
0xca: {  	v47 =	vmul.f32 v42, v35;
	v10 =	vadd.f32 v46, v43;
	v48 =	vmax.f32 v3, v5  }
0xcb: {  	v1 =	vmul.f32 v1, v16;
	v0 =	vadd.f32 v0, v6;
	v3 =	vsub.f32 v3, v48  }
0xcc: {  	v5 =	vsub.f32 v5, v48  }
0xcd: {  	v6 =	vadd.f32 v47, v10;
	v0 =	vadd.f32 v1, v0;
	v1 =	vmul.f32 $1.442695020e+00, v3  }
0xce: {  	v3 =	vmul.f32 $1.442695020e+00, v5  }
0xcf: {  	v5 =	vadd.f32 v0, v6;
	v0 =	vadd.f32 v4, v0;
	(erf) = vpow2.f32 v1  }
0xd0: {  	(erf) = vpow2.f32 v3  }
0xd1: {  	v1 =	vadd.f32 v5, v12;
	v0 =	vadd.f32 v0, v13;
	_ =	sdelay $0x1  }
0xd2: {  	v3 =	vmul.f32 $2.000000030e-01, v1;
	v5 =	vmul.f32 $2.000000030e-01, v0  }
0xd3: {  	vm12 =	vgt.f32 v1, $0.0e+00;
	vm13 =	vgt.f32 v0, $0.0e+00  }
0xd4: {  	v1 =	vsel vm12, v1, v3;
	v0 =	vsel vm13, v0, v5  }
0xd5: {  	v1 =	vmul.f32 v1, v8;
	v0 =	vmul.f32 v0, v8  }
0xd6: {  	v3 =	vmul.f32 v26, v27  }
0xd7: {  	v1 =	vadd.f32 v1, v19;
	v0 =	vadd.f32 v0, v20;
	v5 =	vpop (erf)  }
0xd8: {  	v49 =	vmul.f32 v24, v29;
	v3 =	vadd.f32 v3, v23;
	v50 =	vpop (erf)  }
0xd9: {  	v52 =	vmax.f32 v1, v0;
	v51 =	vadd.f32 v50, v5  }
0xda: {  	v3 =	vadd.f32 v49, v3;
	v1 =	vsub.f32 v1, v52  }
0xdb: {  	v0 =	vsub.f32 v0, v52;
	v53 =	vadd.f32 $1.000000020e-16, v51  }
0xdc: {  	v3 =	vadd.f32 v25, v3;
	v1 =	vmul.f32 $1.442695020e+00, v1  }
0xdd: {  	v0 =	vmul.f32 $1.442695020e+00, v0;
	(erf) = vrcp.f32 v53  }
0xde: {  	v54 =	vadd.f32 v3, v2;
	v3 =	vadd.f32 v3, v6;
	(erf) = vpow2.f32 v1  }
0xdf: {  	(erf) = vpow2.f32 v0  }
0xe0: {  	v1 =	vadd.f32 v3, v7;
	v0 =	vadd.f32 v54, v11;
	_ =	sdelay $0x1  }
0xe1: {  	v7 =	vmul.f32 $2.000000030e-01, v1;
	v3 =	vmul.f32 $2.000000030e-01, v0  }
0xe2: {  	vm14 =	vgt.f32 v1, $0.0e+00;
	vm15 =	vgt.f32 v0, $0.0e+00  }
0xe3: {  	v1 =	vsel vm14, v1, v7;
	v0 =	vsel vm15, v0, v3  }
0xe4: {  	v1 =	vmul.f32 v1, v8;
	v0 =	vmul.f32 v0, v8  }
0xe5: {  	v3 =	vpop (erf)  }
0xe6: {  	v1 =	vadd.f32 v1, v18;
	v0 =	vadd.f32 v0, v17;
	v7 =	vpop (erf)  }
0xe7: {  	v8 =	vpop (erf)  }
0xe8: {  	v56 =	vmax.f32 v1, v0;
	v55 =	vadd.f32 v8, v7  }
0xe9: {  	v1 =	vsub.f32 v1, v56  }
0xea: {  	v0 =	vsub.f32 v0, v56;
	v9 =	vadd.f32 $1.000000020e-16, v55  }
0xeb: {  	v1 =	vmul.f32 $1.442695020e+00, v1  }
0xec: {  	v0 =	vmul.f32 $1.442695020e+00, v0;
	(erf) = vrcp.f32 v9  }
0xed: {  	(erf) = vpow2.f32 v1  }
0xee: {  	(erf) = vpow2.f32 v0;
	_ =	sdelay $0x6  }
0xef: {  	v1 =	vpop (erf)  }
0xf0: {  	v57 =	vpop (erf)  }
0xf1: {  	v58 =	vpop (erf)  }
0xf2: {  	v0 =	vadd.f32 v58, v57;
	_ =	sdelay $0x1  }
0xf3: {  	v0 =	vadd.f32 $1.000000020e-16, v0  }
0xf4: {  	[tilespmem:s15+$0x4F00] =	vst v4  }
0xf5: {  	[tilespmem:s15+$0x4E00] =	vst v2;
	(erf) = vrcp.f32 v0  }
0xf6: {  	s31 =	simm.s32 $0x0;
	[tilespmem:s15+$0x4D00] =	vst v6  }
0xf7: {  	v59 =	vld [tilespmem:s31+$0x4F00]  }
0xf8: {  	v6 =	vld [tilespmem:s31+$0x4E00]  }
0xf9: {  	v60 =	vld [tilespmem:s31+$0x4D00];
	_ =	sdelay $0x1  }
0xfa: {  	v2 =	vmul.f32 v3, v5;
	v3 =	vmul.f32 v3, v50  }
0xfb: {  	v0 =	vmul.f32 v1, v7;
	v1 =	vmul.f32 v1, v8;
	v7 =	vld [tilespmem:s31+$0x4C00]  }
0xfc: {  	v10 =	vmul.f32 v59, v3;
	v8 =	vmul.f32 v6, v2  }
0xfd: {  	v61 =	vmul.f32 v60, v0;
	v62 =	vmul.f32 v59, v1;
	v4 =	vpop (erf)  }
0xfe: {  	v8 =	vadd.f32 v10, v8;
	v5 =	vmul.f32 v4, v57;
	v4 =	vmul.f32 v4, v58  }
0xff: {  	v9 =	vadd.f32 v62, v61  }
0x100: {  	v8 =	vadd.f32 v8, v7;
	v63 =	vmul.f32 v60, v5;
	v6 =	vmul.f32 v6, v4;
	_ =	sdelay $0x1  }
0x101: {  	v9 =	vadd.f32 v9, v7;
	v8 =	vmax.f32 v8, $0.0e+00;
	v6 =	vadd.f32 v6, v63  }
0x102: {  	v8 =	vadd.f32 $0.0e+00, v8  }
0x103: {  	v9 =	vmax.f32 v9, $0.0e+00;
	v6 =	vadd.f32 v6, v7  }
0x104: {  	v7 =	vadd.f32 v8, v9  }
0x105: {  	v6 =	vmax.f32 v6, $0.0e+00  }
0x106: {  	v6 =	vadd.f32 v7, v6;
	_ =	sdelay $0x1  }
0x107: {  	s17 =	simm.s32 $0x10;
	[tilespmem:s13+$0x0] =	vst v6  }
0x108: {  	s16 =	simm.s32 $0x80;
	s15 =	smov.u32 s13;
	v6 =	vld [tilespmem:s17+$0x4E00]  }
.LBB2_5:
0x109: {  	p0 =	sne.s32 s16, $0x3C0;
	v7 =	vld [tilespmem:s17+$0x4F00];
	_ =	sdelay $0x1  }
0x10a: {  	v8 =	vld [tilespmem:s17+$0x4D00];
	_ =	sdelay $0x1  }
0x10b: {  	v9 =	vld [tilespmem:s17+$0x4C00]  }
0x10c: {  	v10 =	vmul.f32 v6, v2;
	v11 =	vmul.f32 v7, v3;
	_ =	sdelay $0x1  }
0x10d: {  	v7 =	vmul.f32 v7, v1;
	v10 =	vadd.f32 v11, v10;
	v11 =	vmul.f32 v8, v0  }
0x10e: {  	v8 =	vmul.f32 v8, v5  }
0x10f: {  	v6 =	vmul.f32 v6, v4;
	v10 =	vadd.f32 v10, v9;
	v7 =	vadd.f32 v7, v11;
	_ =	sdelay $0x1  }
0x110: {  	v6 =	vadd.f32 v6, v8;
	v10 =	vmax.f32 v10, $0.0e+00;
	v7 =	vadd.f32 v7, v9  }
0x111: {  	v8 =	vadd.f32 $0.0e+00, v10  }
0x112: {  	v6 =	vadd.f32 v6, v9;
	v7 =	vmax.f32 v7, $0.0e+00  }
0x113: {  	v7 =	vadd.f32 v8, v7  }
.Ltmp1:
0x114: {  	v6 =	vmax.f32 v6, $0.0e+00;
	(pc) =	sbr.rel @p0 .LBB2_5-.Ltmp1, $4  }
0x115: {  	v6 =	vadd.f32 v7, v6  }
0x116: {  	s15 =	sadd.s32 $0x100, s15  }
0x117: {  	s17 =	sshra.s32 s16, $0x2;
	[tilespmem:s15+$0x0] =	vst v6  }
0x118: {  	s16 =	sadd.s32 $0x40, s16;
	v6 =	vld [tilespmem:s17+$0x4E00]  }
0x119: {  	v7 =	vld [tilespmem:s17+$0x4F00];
	_ =	sdelay $0x1  }
0x11a: {  	v8 =	vld [tilespmem:s17+$0x4D00];
	_ =	sdelay $0x1  }
0x11b: {  	v9 =	vld [tilespmem:s17+$0x4C00]  }
0x11c: {  	v2 =	vmul.f32 v6, v2;
	v3 =	vmul.f32 v7, v3;
	_ =	sdelay $0x1  }
0x11d: {  	v0 =	vmul.f32 v8, v0;
	v1 =	vmul.f32 v7, v1;
	v2 =	vadd.f32 v3, v2  }
0x11e: {  	v63 =	vmul.f32 v6, v4  }
0x11f: {  	v62 =	vmul.f32 v8, v5;
	v0 =	vadd.f32 v1, v0;
	v2 =	vadd.f32 v2, v9;
	_ =	sdelay $0x1  }
0x120: {  	v1 =	vadd.f32 v63, v62;
	v0 =	vadd.f32 v0, v9;
	v2 =	vmax.f32 v2, $0.0e+00  }
0x121: {  	s14 =	sadd.s32 $0x1, s14;
	v2 =	vadd.f32 $0.0e+00, v2  }
0x122: {  	p0 =	sne.s32 s14, $0x10;
	v1 =	vadd.f32 v1, v9;
	v0 =	vmax.f32 v0, $0.0e+00  }
.Ltmp2:
0x123: {  	v0 =	vadd.f32 v2, v0;
	(pc) =	sbr.rel @p0 .LBB2_2-.Ltmp2, $4  }
0x124: {  	v1 =	vmax.f32 v1, $0.0e+00  }
0x125: {  	v0 =	vadd.f32 v0, v1  }
0x126: {  	s15 =	sadd.s32 $0x100, s15  }
0x127: {  	s13 =	sadd.s32 $0x10, s13;
	[tilespmem:s15+$0x0] =	vst v0  }
0x128: {  	s12 =	sadd.s32 $0x1, s12  }
0x129: {  	p0 =	sne.s32 s12, s6  }
.Ltmp3:
0x12a: {  	_ = 	snop;
	(pc) =	sbr.rel @p0 .LBB2_1-.Ltmp3, $4  }
0x12b: {  	[hbm4b:s5+s7] =	stream.strided.scatter [tilespmem:s11], [sflag:$0x1], $0x1000, s8, s7, $0x38;
	[tilespmem:$0x6000] =	vst v63  }
0x12c: {  	_ =	swait.ge [sflag:s9], $0x1000  }
0x12d: {  	[sflag:s9] =	ssyncset.done $0x0  }
0x12e: {  	[sflag:s9] =	ssyncadd.s32 $0xFFFFF000  }
0x12f: {  	_ =	sfence.sel $0x180000  }
0x130: {  	[bflag:$0x0] =	sbarrier.arrive $0xFFFF  }
0x131: {  	p0 =	sne.s32 s1, $0x0;
	_ =	strace $0x90000047  }
0x132: {  	s0 =	sadd.s32 @!p0 $0x100000, s0;
	[bflag:$0x2] =	sbarrier.arrive $0xFFFF  }
0x133: {  	[sflag:s0] =	ssyncadd.tile.s32 @!p0 $0x1;
	_ =	shalt  }
.Lfunc_end2:
_tile_overlayer_lowered:
.L_overlay_start_2:
0x134: {  	(tag) =	ssettag $0x2  }
0x135: {  	s0 =	rddreg [dreg:$0x0];
	s2 =	stileid.u32  }
0x136: {  	s1 =	rddreg [dreg:$0x1];
	p0 =	sne.s32 s2, $0x0  }
0x137: {  	s3 =	rddreg [dreg:$0x2];
	[bflag:$0x3] =	sbarrier.arrive $0xFFFF;
	s2 =	simm.s32 @!p0 $0x1C01  }
0x138: {  	[timem:s3], [sflag:s2] =	dma.local @!p0 [hbm:s0], s1  }
0x139: {  	s0 =	simm.s32 @!p0 $0x1  }
0x13a: {  	_ =	swait.ge @!p0 [sflag:s0], s1  }
0x13b: {  	s1 =	ssub.s32 @!p0 $0x0, s1;
	[sflag:s0] =	ssyncset.done @!p0 $0x0  }
0x13c: {  	[sflag:s0] =	ssyncadd.s32 @!p0 s1  }
0x13d: {  	[bflag:$0x3] =	sbarrier.arrive $0xFFFF  }
0x13e: {  	_ =	shalt  }

</sc_bundles>
